<compile_context>
chip_gen: v7x
topology: tpu7x:2x2x1
jax: 0.10.2.dev20260603
libtpu: 0.0.44.dev20260713+nightly
codegen_flags: <defaults>
</compile_context>

<pallas_src>
import functools

import jax
import jax.numpy as jnp
from jax import lax
from jax.experimental import pallas as pl
from jax.experimental.pallas import tpu as pltpu
from jax.experimental.pallas import tpu_sc as plsc

N = 10000
E = 320000
D = 128
H = 256
G = 64

NC = 2
NS = 16
CH = 128

NCHUNK1 = 80
IDXBLK1 = 16
PAD1 = NC * NS * NCHUNK1 * CH - E
NCHUNK2 = 160
IDXBLK2 = 32
PAD2 = NS * NCHUNK2 * CH - E

ACC_ROWS = N + 16
ZROWS = ACC_ROWS // NS

R = 2000
NBLK = N // R



def _agg_l1_body(x_hbm, src_hbm, dst_hbm, zero_hbm, out_hbm,
                 src_v, dst_v, rows_a, rows_b, acc,
                 sem_ga, sem_gb, sem_sa, sem_sb):
    c = lax.axis_index("c")
    s = lax.axis_index("s")
    w = c * NS + s
    pltpu.sync_copy(zero_hbm, acc.at[pl.ds(s * ZROWS, ZROWS)])
    plsc.subcore_barrier()

    def drain_scatters():
        pltpu.make_async_copy(rows_a, acc.at[dst_v.at[0]], sem_sa).wait()
        pltpu.make_async_copy(rows_b, acc.at[dst_v.at[0]], sem_sb).wait()

    def blk(b, carry):
        @pl.when(carry == 1)
        def _():
            drain_scatters()

        pltpu.sync_copy(src_hbm.at[w, pl.ds(b * IDXBLK1, IDXBLK1)], src_v)
        pltpu.sync_copy(dst_hbm.at[w, pl.ds(b * IDXBLK1, IDXBLK1)], dst_v)

        def body(k, carry2):
            j = 2 * k

            @pl.when(carry2 == 1)
            def _():
                drain_scatters()

            ga = pltpu.async_copy(x_hbm.at[src_v.at[j]], rows_a, sem_ga)
            gb = pltpu.async_copy(x_hbm.at[src_v.at[j + 1]], rows_b, sem_gb)
            ga.wait()
            pltpu.async_copy(rows_a, acc.at[dst_v.at[j]], sem_sa, add=True)
            gb.wait()
            pltpu.async_copy(rows_b, acc.at[dst_v.at[j + 1]], sem_sb,
                             add=True)
            return 1

        return lax.fori_loop(0, IDXBLK1 // 2, body, 0)

    fin = lax.fori_loop(0, NCHUNK1 // IDXBLK1, blk, 0)

    @pl.when(fin == 1)
    def _():
        drain_scatters()
    plsc.subcore_barrier()
    rows_out = N // NS
    pltpu.sync_copy(acc.at[pl.ds(s * rows_out, rows_out)],
                    out_hbm.at[pl.ds(s * rows_out, rows_out), c])


def _agg_l23_body(hflat_hbm, src_hbm, dst_hbm, zero_hbm, out_hbm,
                  src_v, dst_v, rows_a, rows_b, acc,
                  sem_ga, sem_gb, sem_sa, sem_sb):
    c = lax.axis_index("c")
    s = lax.axis_index("s")
    pltpu.sync_copy(zero_hbm, acc.at[pl.ds(s * ZROWS, ZROWS)])
    plsc.subcore_barrier()

    def drain_scatters():
        pltpu.make_async_copy(rows_a, acc.at[dst_v.at[0]], sem_sa).wait()
        pltpu.make_async_copy(rows_b, acc.at[dst_v.at[0]], sem_sb).wait()

    def blk(b, carry):
        @pl.when(carry == 1)
        def _():
            drain_scatters()

        pltpu.sync_copy(src_hbm.at[c, s, pl.ds(b * IDXBLK2, IDXBLK2)], src_v)
        pltpu.sync_copy(dst_hbm.at[s, pl.ds(b * IDXBLK2, IDXBLK2)], dst_v)

        def body(k, carry2):
            j = 2 * k

            @pl.when(carry2 == 1)
            def _():
                drain_scatters()

            ga = pltpu.async_copy(hflat_hbm.at[src_v.at[j]], rows_a, sem_ga)
            gb = pltpu.async_copy(hflat_hbm.at[src_v.at[j + 1]], rows_b, sem_gb)
            ga.wait()
            pltpu.async_copy(rows_a, acc.at[dst_v.at[j]], sem_sa, add=True)
            gb.wait()
            pltpu.async_copy(rows_b, acc.at[dst_v.at[j + 1]], sem_sb,
                             add=True)
            return 1

        return lax.fori_loop(0, IDXBLK2 // 2, body, 0)

    fin = lax.fori_loop(0, NCHUNK2 // IDXBLK2, blk, 0)

    @pl.when(fin == 1)
    def _():
        drain_scatters()
    plsc.subcore_barrier()
    rows_out = N // NS
    pltpu.sync_copy(acc.at[pl.ds(s * rows_out, rows_out)],
                    out_hbm.at[pl.ds(s * rows_out, rows_out), c])


@functools.lru_cache(maxsize=None)
def _build_agg_kernels():
    mesh = plsc.VectorSubcoreMesh(
        core_axis_name="c", subcore_axis_name="s",
        num_cores=NC, num_subcores=NS)
    agg_l1 = pl.kernel(
        _agg_l1_body,
        out_type=jax.ShapeDtypeStruct((N, 2, D), jnp.float32),
        mesh=mesh,
        scratch_types=[
            pltpu.VMEM((IDXBLK1, CH), jnp.int32),
            pltpu.VMEM((IDXBLK1, CH), jnp.int32),
            pltpu.VMEM((CH, D), jnp.float32),
            pltpu.VMEM((CH, D), jnp.float32),
            pltpu.VMEM_SHARED((ACC_ROWS, D), jnp.float32),
            pltpu.SemaphoreType.DMA,
            pltpu.SemaphoreType.DMA,
            pltpu.SemaphoreType.DMA,
            pltpu.SemaphoreType.DMA,
        ])
    agg_l23 = pl.kernel(
        _agg_l23_body,
        out_type=jax.ShapeDtypeStruct((N, 2, D), jnp.float32),
        mesh=mesh,
        scratch_types=[
            pltpu.VMEM((IDXBLK2, CH), jnp.int32),
            pltpu.VMEM((IDXBLK2, CH), jnp.int32),
            pltpu.VMEM((CH, D), jnp.float32),
            pltpu.VMEM((CH, D), jnp.float32),
            pltpu.VMEM_SHARED((ACC_ROWS, D), jnp.float32),
            pltpu.SemaphoreType.DMA,
            pltpu.SemaphoreType.DMA,
            pltpu.SemaphoreType.DMA,
            pltpu.SemaphoreType.DMA,
        ])
    return agg_l1, agg_l23



def _mlp1_body(x_ref, p_ref, Wa_ref, ba_ref, Wb_ref, bb_ref, out_ref):
    z = x_ref[...] + p_ref[...][:, 0, :] + p_ref[...][:, 1, :]
    t = jnp.maximum(
        jnp.dot(z, Wa_ref[...], preferred_element_type=jnp.float32)
        + ba_ref[...], 0.0)
    out_ref[...] = jnp.maximum(
        jnp.dot(t, Wb_ref[...], preferred_element_type=jnp.float32)
        + bb_ref[...], 0.0)


_mlp1 = pl.pallas_call(
    _mlp1_body,
    grid=(NBLK,),
    in_specs=[
        pl.BlockSpec((R, D), lambda i: (i, 0)),
        pl.BlockSpec((R, 2, D), lambda i: (i, 0, 0)),
        pl.BlockSpec((D, H), lambda i: (0, 0)),
        pl.BlockSpec((1, H), lambda i: (0, 0)),
        pl.BlockSpec((H, H), lambda i: (0, 0)),
        pl.BlockSpec((1, H), lambda i: (0, 0)),
    ],
    out_specs=pl.BlockSpec((R, H), lambda i: (i, 0)),
    out_shape=jax.ShapeDtypeStruct((N, H), jnp.float32),
)


def _mlp2_body(h_ref, a_ref, Wa_ref, ba_ref, Wb_ref, bb_ref, out_ref):
    z = h_ref[...] + a_ref[...].reshape(R, H)
    t = jnp.maximum(
        jnp.dot(z, Wa_ref[...], preferred_element_type=jnp.float32)
        + ba_ref[...], 0.0)
    out_ref[...] = jnp.maximum(
        jnp.dot(t, Wb_ref[...], preferred_element_type=jnp.float32)
        + bb_ref[...], 0.0)


_mlp2 = pl.pallas_call(
    _mlp2_body,
    grid=(NBLK,),
    in_specs=[
        pl.BlockSpec((R, H), lambda i: (i, 0)),
        pl.BlockSpec((R, 2, D), lambda i: (i, 0, 0)),
        pl.BlockSpec((H, H), lambda i: (0, 0)),
        pl.BlockSpec((1, H), lambda i: (0, 0)),
        pl.BlockSpec((H, H), lambda i: (0, 0)),
        pl.BlockSpec((1, H), lambda i: (0, 0)),
    ],
    out_specs=pl.BlockSpec((R, H), lambda i: (i, 0)),
    out_shape=jax.ShapeDtypeStruct((N, H), jnp.float32),
)


def _mlp3_body(h_ref, a_ref, batch_ref, Wa_ref, ba_ref, Wb_ref, bb_ref,
               Wm_ref, bm_ref, Wt_ref, bt_ref, mem_ref, time_ref,
               acc_ref, cnt_ref):
    i = pl.program_id(0)
    z = h_ref[...] + a_ref[...].reshape(R, H)
    t = jnp.maximum(
        jnp.dot(z, Wa_ref[...], preferred_element_type=jnp.float32)
        + ba_ref[...], 0.0)
    h3 = jnp.maximum(
        jnp.dot(t, Wb_ref[...], preferred_element_type=jnp.float32)
        + bb_ref[...], 0.0)
    oh = (batch_ref[...] ==
          lax.broadcasted_iota(jnp.int32, (R, G), 1)).astype(jnp.float32)
    blk = lax.dot_general(oh, h3, (((0,), (0,)), ((), ())),
                          preferred_element_type=jnp.float32)
    cblk = lax.dot_general(oh, jnp.ones((R, 1), jnp.float32),
                           (((0,), (0,)), ((), ())),
                           preferred_element_type=jnp.float32)

    @pl.when(i == 0)
    def _():
        acc_ref[...] = blk
        cnt_ref[...] = cblk

    @pl.when(i > 0)
    def _():
        acc_ref[...] += blk
        cnt_ref[...] += cblk

    @pl.when(i == NBLK - 1)
    def _():
        pooled = acc_ref[...] / jnp.maximum(cnt_ref[...], 1.0)
        mem_ref[...] = (
            jnp.dot(pooled, Wm_ref[...], preferred_element_type=jnp.float32)
            + bm_ref[...])
        time_ref[...] = (
            jnp.dot(pooled, Wt_ref[...], preferred_element_type=jnp.float32)
            + bt_ref[...])


_mlp3 = pl.pallas_call(
    _mlp3_body,
    grid=(NBLK,),
    in_specs=[
        pl.BlockSpec((R, H), lambda i: (i, 0)),
        pl.BlockSpec((R, 2, D), lambda i: (i, 0, 0)),
        pl.BlockSpec((R, 1), lambda i: (i, 0)),
        pl.BlockSpec((H, H), lambda i: (0, 0)),
        pl.BlockSpec((1, H), lambda i: (0, 0)),
        pl.BlockSpec((H, H), lambda i: (0, 0)),
        pl.BlockSpec((1, H), lambda i: (0, 0)),
        pl.BlockSpec((H, 1), lambda i: (0, 0)),
        pl.BlockSpec((1, 1), lambda i: (0, 0)),
        pl.BlockSpec((H, 1), lambda i: (0, 0)),
        pl.BlockSpec((1, 1), lambda i: (0, 0)),
    ],
    out_specs=[
        pl.BlockSpec((G, 1), lambda i: (0, 0)),
        pl.BlockSpec((G, 1), lambda i: (0, 0)),
    ],
    out_shape=[
        jax.ShapeDtypeStruct((G, 1), jnp.float32),
        jax.ShapeDtypeStruct((G, 1), jnp.float32),
    ],
    scratch_shapes=[
        pltpu.VMEM((G, H), jnp.float32),
        pltpu.VMEM((G, 1), jnp.float32),
    ],
)



def kernel(x, edge_index, batch, W1, b1, W2, b2, W3, b3, W4, b4,
           Wm, bm, Wt, bt):
    src = edge_index[0]
    dst = edge_index[1]

    src1 = jnp.concatenate(
        [src, jnp.zeros((PAD1,), jnp.int32)]).reshape(NC * NS, NCHUNK1, CH)
    pad1 = N + (jnp.arange(PAD1, dtype=jnp.int32) % 16)
    dst1 = jnp.concatenate([dst, pad1]).reshape(NC * NS, NCHUNK1, CH)
    srcp = jnp.concatenate([src, jnp.zeros((PAD2,), jnp.int32)])
    src2 = jnp.stack([2 * srcp, 2 * srcp + 1]).reshape(2, NS, NCHUNK2, CH)
    pad2 = N + (jnp.arange(PAD2, dtype=jnp.int32) % 16)
    dst2 = jnp.concatenate([dst, pad2]).reshape(NS, NCHUNK2, CH)
    zero_rows = jnp.zeros((ZROWS, D), jnp.float32)

    b1r, b2r = b1.reshape(1, H), b2.reshape(1, H)
    b3r, b4r = b3.reshape(1, H), b4.reshape(1, H)
    bmr, btr = bm.reshape(1, 1), bt.reshape(1, 1)
    batch2 = batch.reshape(N, 1)

    agg_l1, agg_l23 = _build_agg_kernels()
    p1 = agg_l1(x, src1, dst1, zero_rows)
    h1 = _mlp1(x, p1, W1, b1r, W2, b2r)
    a2 = agg_l23(h1.reshape(2 * N, D), src2, dst2, zero_rows)
    h2 = _mlp2(h1, a2, W3, b3r, W4, b4r)
    a3 = agg_l23(h2.reshape(2 * N, D), src2, dst2, zero_rows)
    mem2, time2 = _mlp3(h2, a3, batch2, W3, b3r, W4, b4r, Wm, bmr, Wt, btr)
    return (mem2.reshape(G), time2.reshape(G))

# --- scband reference (transcript-rebuilt; emitter-appended) ---
"""Pipeline reference for scband-gin-52974126629630 (READ-ONLY COPY).

The authoritative reference and input builder live on the scoring server;
editing this copy changes nothing except your own understanding.
"""

import jax, jax.numpy as jnp
import numpy as np

N = 10000
E = 320000
D = 128
H = 256
G = 64
OUT = 1


def setup_inputs(seed: int = 0) -> dict:
    key = jax.random.key(seed)
    ks = jax.random.split(key, 16)
    x = jax.random.normal(ks[0], (N, D), dtype=jnp.float32)
    edge_index = jax.random.randint(ks[1], (2, E), 0, N, dtype=jnp.int32)
    batch = jnp.sort(jax.random.randint(ks[2], (N,), 0, G, dtype=jnp.int32))
    def lin(k, fan_in, fan_out):
        s = 1.0 / np.sqrt(fan_in)
        kw, kb = jax.random.split(k)
        W = jax.random.uniform(kw, (fan_in, fan_out), dtype=jnp.float32, minval=-s, maxval=s)
        b = jax.random.uniform(kb, (fan_out,), dtype=jnp.float32, minval=-s, maxval=s)
        return W, b
    W1, b1 = lin(ks[3], D, H)
    W2, b2 = lin(ks[4], H, H)
    W3, b3 = lin(ks[5], H, H)
    W4, b4 = lin(ks[6], H, H)
    Wm, bm = lin(ks[7], H, OUT)
    Wt, bt = lin(ks[8], H, OUT)
    return {"x": x, "edge_index": edge_index, "batch": batch,
            "W1": W1, "b1": b1, "W2": W2, "b2": b2,
            "W3": W3, "b3": b3, "W4": W4, "b4": b4,
            "Wm": Wm, "bm": bm, "Wt": Wt, "bt": bt}


def reference(x, edge_index, batch, W1, b1, W2, b2, W3, b3, W4, b4, Wm, bm, Wt, bt):
    src = edge_index[0]
    dst = edge_index[1]

    def gin_conv(h, Wa, ba, Wb, bb):
        # GINConv with eps=0: nn((1+eps)*x + sum_{j in N(i)} x_j)
        agg = jnp.zeros_like(h).at[dst].add(h[src])
        z = h + agg
        z = jnp.maximum(jnp.dot(z, Wa) + ba, 0.0)
        return jnp.dot(z, Wb) + bb

    h = jnp.maximum(gin_conv(x, W1, b1, W2, b2), 0.0)
    for _ in range(2):  # num_layers - 1 applications of conv2 (shared weights)
        h = jnp.maximum(gin_conv(h, W3, b3, W4, b4), 0.0)

    # global_mean_pool over graph ids in `batch`
    sums = jax.ops.segment_sum(h, batch, num_segments=G)
    counts = jax.ops.segment_sum(jnp.ones((h.shape[0], 1), h.dtype), batch, num_segments=G)
    pooled = sums / jnp.maximum(counts, 1.0)

    mem_pred = jnp.squeeze(jnp.dot(pooled, Wm) + bm)
    time_pred = jnp.squeeze(jnp.dot(pooled, Wt) + bt)
    return (mem_pred, time_pred)

if __name__ == "__main__":
    import jax
    _d = setup_inputs()
    print(jax.jit(kernel)(*tuple(_d.values())))

</pallas_src>

<mosaic_0001>
#map = affine_map<(d0, d1) -> (0, 0)>
#map1 = affine_map<(d0, d1) -> (0, 0, 0)>
module attributes {stable_mosaic.version = 14 : i64} {
  func.func @_agg_l1_body(%arg0: i32, %arg1: i32, %arg2: memref<10000x128xf32, #tpu.memory_space<hbm>>, %arg3: memref<32x80x128xi32, #tpu.memory_space<hbm>>, %arg4: memref<32x80x128xi32, #tpu.memory_space<hbm>>, %arg5: memref<626x128xf32, #tpu.memory_space<hbm>>, %arg6: memref<10000x2x128xf32, #tpu.memory_space<hbm>>, %arg7: memref<16x128xi32, #tpu.memory_space<vmem>>, %arg8: memref<16x128xi32, #tpu.memory_space<vmem>>, %arg9: memref<128x128xf32, #tpu.memory_space<vmem>>, %arg10: memref<128x128xf32, #tpu.memory_space<vmem>>, %arg11: memref<10016x128xf32, #tpu.memory_space<vmem_shared>>, %arg12: memref<!tpu.dma_semaphore, #tpu.memory_space<semaphore_mem>>, %arg13: memref<!tpu.dma_semaphore, #tpu.memory_space<semaphore_mem>>, %arg14: memref<!tpu.dma_semaphore, #tpu.memory_space<semaphore_mem>>, %arg15: memref<!tpu.dma_semaphore, #tpu.memory_space<semaphore_mem>>) attributes {dimension_semantics = [#tpu.dimension_semantics<core_parallel>, #tpu.dimension_semantics<subcore_parallel>], iteration_bounds = array<i64: 2, 16>, scalar_prefetch = 0 : i64, scratch_operands = 9 : i64, tpu.core_type = #tpu.core_type<sc_vector_subcore>, window_params = [{transform_indices = #map}, {transform_indices = #map1}, {transform_indices = #map1}, {transform_indices = #map}, {transform_indices = #map1}]} {
    %mul3A = arith.constant 16 : i32
    %mul3A_0 = arith.muli %arg0, %mul3A : i32
    %add3A = arith.addi %mul3A_0, %arg1 : i32
    %mul3A_1 = arith.constant 626 : i32
    %mul3A_2 = arith.muli %arg1, %mul3A_1 : i32
    "tpu.region"() ({
      %run_scoped3A = tpu.sem_alloc : memref<!tpu.dma_semaphore, #tpu.memory_space<semaphore_mem>>
      %dma_start3A = arith.constant 0 : i32
      %dma_start3A_16 = tpu.memref_slice %arg11[%mul3A_2, %dma_start3A] : memref<10016x128xf32, #tpu.memory_space<vmem_shared>> -> memref<626x128xf32, #tpu.memory_space<vmem_shared>>
      tpu.enqueue_dma source(%arg5 : memref<626x128xf32, #tpu.memory_space<hbm>>) target(%dma_start3A_16 : memref<626x128xf32, #tpu.memory_space<vmem_shared>>) target_semaphore(%run_scoped3A : memref<!tpu.dma_semaphore, #tpu.memory_space<semaphore_mem>>)
      %dma_wait3A = arith.constant 0 : i32
      %dma_wait3A_17 = tpu.memref_slice %arg11[%mul3A_2, %dma_wait3A] : memref<10016x128xf32, #tpu.memory_space<vmem_shared>> -> memref<626x128xf32, #tpu.memory_space<vmem_shared>>
      tpu.wait_dma2 semaphore(%run_scoped3A : memref<!tpu.dma_semaphore, #tpu.memory_space<semaphore_mem>>) src(%arg5 : memref<626x128xf32, #tpu.memory_space<hbm>>) dst(%dma_wait3A_17 : memref<626x128xf32, #tpu.memory_space<vmem_shared>>)
      tpu.yield
    }) : () -> ()
    %barrier3A = arith.constant 0 : index
    tpu.barrier barrier_id(%barrier3A)
    %scan3A = arith.constant 0 : i32
    %scan3A_3 = arith.constant 0 : i32
    %scan3A_4 = arith.constant 5 : i32
    %scan3A_5 = arith.addi %scan3A_3, %scan3A_4 : i32
    %scan3A_6 = arith.constant 1 : i32
    %scan3A_7 = scf.for %scan3A_16 = %scan3A_3 to %scan3A_5 step %scan3A_6 iter_args(%scan3A_17 = %scan3A) -> (i32)  : i32 {
      %eq3A_18 = arith.constant 1 : i32
      %eq3A_19 = arith.cmpi eq, %scan3A_17, %eq3A_18 : i32
      %convert_element_type3A_20 = arith.extui %eq3A_19 : i1 to i32
      %cond3A_21 = arith.constant 0 : i32
      %cond3A_22 = arith.cmpi ne, %convert_element_type3A_20, %cond3A_21 : i32
      scf.if %cond3A_22 {
        %dma_wait3A = arith.constant 0 : i32
        %dma_wait3A_34 = arith.constant 0 : i32
        %dma_wait3A_35 = tpu.memref_slice %arg8[%dma_wait3A, %dma_wait3A_34] : memref<16x128xi32, #tpu.memory_space<vmem>> -> memref<1x128xi32, #tpu.memory_space<vmem>>
        %dma_wait3A_36 = tpu.memref_squeeze %dma_wait3A_35 : memref<1x128xi32, #tpu.memory_space<vmem>> -> memref<128xi32, #tpu.memory_space<vmem>>
        %dma_wait3A_37 = arith.constant 0 : i32
        %dma_wait3A_38 = arith.constant 0 : i32
        %dma_wait3A_39 = tpu.memref_slice %arg11[%dma_wait3A_37, %dma_wait3A_38] : memref<10016x128xf32, #tpu.memory_space<vmem_shared>> -> memref<10016x128xf32, #tpu.memory_space<vmem_shared>>
        tpu.wait_indirect_dma semaphore(%arg14 : memref<!tpu.dma_semaphore, #tpu.memory_space<semaphore_mem>>) src(%arg9 : memref<128x128xf32, #tpu.memory_space<vmem>>) dst(%dma_wait3A_39 : memref<10016x128xf32, #tpu.memory_space<vmem_shared>>)
        %dma_wait3A_40 = arith.constant 0 : i32
        %dma_wait3A_41 = arith.constant 0 : i32
        %dma_wait3A_42 = tpu.memref_slice %arg8[%dma_wait3A_40, %dma_wait3A_41] : memref<16x128xi32, #tpu.memory_space<vmem>> -> memref<1x128xi32, #tpu.memory_space<vmem>>
        %dma_wait3A_43 = tpu.memref_squeeze %dma_wait3A_42 : memref<1x128xi32, #tpu.memory_space<vmem>> -> memref<128xi32, #tpu.memory_space<vmem>>
        %dma_wait3A_44 = arith.constant 0 : i32
        %dma_wait3A_45 = arith.constant 0 : i32
        %dma_wait3A_46 = tpu.memref_slice %arg11[%dma_wait3A_44, %dma_wait3A_45] : memref<10016x128xf32, #tpu.memory_space<vmem_shared>> -> memref<10016x128xf32, #tpu.memory_space<vmem_shared>>
        tpu.wait_indirect_dma semaphore(%arg15 : memref<!tpu.dma_semaphore, #tpu.memory_space<semaphore_mem>>) src(%arg10 : memref<128x128xf32, #tpu.memory_space<vmem>>) dst(%dma_wait3A_46 : memref<10016x128xf32, #tpu.memory_space<vmem_shared>>)
      } else {
      }
      %mul3A_23 = arith.constant 16 : i32
      %mul3A_24 = arith.muli %scan3A_16, %mul3A_23 : i32
      "tpu.region"() ({
        %run_scoped3A = tpu.sem_alloc : memref<!tpu.dma_semaphore, #tpu.memory_space<semaphore_mem>>
        %dma_start3A = arith.constant 0 : i32
        %dma_start3A_34 = tpu.memref_slice %arg3[%add3A, %mul3A_24, %dma_start3A] : memref<32x80x128xi32, #tpu.memory_space<hbm>> -> memref<1x16x128xi32, #tpu.memory_space<hbm>>
        %dma_start3A_35 = tpu.memref_squeeze %dma_start3A_34 : memref<1x16x128xi32, #tpu.memory_space<hbm>> -> memref<16x128xi32, #tpu.memory_space<hbm>>
        %dma_start3A_36 = arith.constant 0 : i32
        %dma_start3A_37 = tpu.memref_slice %arg3[%add3A, %mul3A_24, %dma_start3A_36] : memref<32x80x128xi32, #tpu.memory_space<hbm>> -> memref<1x16x128xi32, #tpu.memory_space<hbm>>
        %dma_start3A_38 = tpu.memref_squeeze %dma_start3A_37 : memref<1x16x128xi32, #tpu.memory_space<hbm>> -> memref<16x128xi32, #tpu.memory_space<hbm>>
        tpu.enqueue_dma source(%dma_start3A_38 : memref<16x128xi32, #tpu.memory_space<hbm>>) target(%arg7 : memref<16x128xi32, #tpu.memory_space<vmem>>) target_semaphore(%run_scoped3A : memref<!tpu.dma_semaphore, #tpu.memory_space<semaphore_mem>>)
        %dma_wait3A = arith.constant 0 : i32
        %dma_wait3A_39 = tpu.memref_slice %arg3[%add3A, %mul3A_24, %dma_wait3A] : memref<32x80x128xi32, #tpu.memory_space<hbm>> -> memref<1x16x128xi32, #tpu.memory_space<hbm>>
        %dma_wait3A_40 = tpu.memref_squeeze %dma_wait3A_39 : memref<1x16x128xi32, #tpu.memory_space<hbm>> -> memref<16x128xi32, #tpu.memory_space<hbm>>
        %dma_wait3A_41 = arith.constant 0 : i32
        %dma_wait3A_42 = tpu.memref_slice %arg3[%add3A, %mul3A_24, %dma_wait3A_41] : memref<32x80x128xi32, #tpu.memory_space<hbm>> -> memref<1x16x128xi32, #tpu.memory_space<hbm>>
        %dma_wait3A_43 = tpu.memref_squeeze %dma_wait3A_42 : memref<1x16x128xi32, #tpu.memory_space<hbm>> -> memref<16x128xi32, #tpu.memory_space<hbm>>
        tpu.wait_dma2 semaphore(%run_scoped3A : memref<!tpu.dma_semaphore, #tpu.memory_space<semaphore_mem>>) src(%dma_wait3A_43 : memref<16x128xi32, #tpu.memory_space<hbm>>) dst(%arg7 : memref<16x128xi32, #tpu.memory_space<vmem>>)
        tpu.yield
      }) : () -> ()
      %mul3A_25 = arith.constant 16 : i32
      %mul3A_26 = arith.muli %scan3A_16, %mul3A_25 : i32
      "tpu.region"() ({
        %run_scoped3A = tpu.sem_alloc : memref<!tpu.dma_semaphore, #tpu.memory_space<semaphore_mem>>
        %dma_start3A = arith.constant 0 : i32
        %dma_start3A_34 = tpu.memref_slice %arg4[%add3A, %mul3A_26, %dma_start3A] : memref<32x80x128xi32, #tpu.memory_space<hbm>> -> memref<1x16x128xi32, #tpu.memory_space<hbm>>
        %dma_start3A_35 = tpu.memref_squeeze %dma_start3A_34 : memref<1x16x128xi32, #tpu.memory_space<hbm>> -> memref<16x128xi32, #tpu.memory_space<hbm>>
        %dma_start3A_36 = arith.constant 0 : i32
        %dma_start3A_37 = tpu.memref_slice %arg4[%add3A, %mul3A_26, %dma_start3A_36] : memref<32x80x128xi32, #tpu.memory_space<hbm>> -> memref<1x16x128xi32, #tpu.memory_space<hbm>>
        %dma_start3A_38 = tpu.memref_squeeze %dma_start3A_37 : memref<1x16x128xi32, #tpu.memory_space<hbm>> -> memref<16x128xi32, #tpu.memory_space<hbm>>
        tpu.enqueue_dma source(%dma_start3A_38 : memref<16x128xi32, #tpu.memory_space<hbm>>) target(%arg8 : memref<16x128xi32, #tpu.memory_space<vmem>>) target_semaphore(%run_scoped3A : memref<!tpu.dma_semaphore, #tpu.memory_space<semaphore_mem>>)
        %dma_wait3A = arith.constant 0 : i32
        %dma_wait3A_39 = tpu.memref_slice %arg4[%add3A, %mul3A_26, %dma_wait3A] : memref<32x80x128xi32, #tpu.memory_space<hbm>> -> memref<1x16x128xi32, #tpu.memory_space<hbm>>
        %dma_wait3A_40 = tpu.memref_squeeze %dma_wait3A_39 : memref<1x16x128xi32, #tpu.memory_space<hbm>> -> memref<16x128xi32, #tpu.memory_space<hbm>>
        %dma_wait3A_41 = arith.constant 0 : i32
        %dma_wait3A_42 = tpu.memref_slice %arg4[%add3A, %mul3A_26, %dma_wait3A_41] : memref<32x80x128xi32, #tpu.memory_space<hbm>> -> memref<1x16x128xi32, #tpu.memory_space<hbm>>
        %dma_wait3A_43 = tpu.memref_squeeze %dma_wait3A_42 : memref<1x16x128xi32, #tpu.memory_space<hbm>> -> memref<16x128xi32, #tpu.memory_space<hbm>>
        tpu.wait_dma2 semaphore(%run_scoped3A : memref<!tpu.dma_semaphore, #tpu.memory_space<semaphore_mem>>) src(%dma_wait3A_43 : memref<16x128xi32, #tpu.memory_space<hbm>>) dst(%arg8 : memref<16x128xi32, #tpu.memory_space<vmem>>)
        tpu.yield
      }) : () -> ()
      %scan3A_27 = arith.constant 0 : i32
      %scan3A_28 = arith.constant 0 : i32
      %scan3A_29 = arith.constant 8 : i32
      %scan3A_30 = arith.addi %scan3A_28, %scan3A_29 : i32
      %scan3A_31 = arith.constant 1 : i32
      %scan3A_32 = scf.for %scan3A_34 = %scan3A_28 to %scan3A_30 step %scan3A_31 iter_args(%scan3A_35 = %scan3A_27) -> (i32)  : i32 {
        %mul3A_36 = arith.constant 2 : i32
        %mul3A_37 = arith.muli %mul3A_36, %scan3A_34 : i32
        %eq3A_38 = arith.constant 1 : i32
        %eq3A_39 = arith.cmpi eq, %scan3A_35, %eq3A_38 : i32
        %convert_element_type3A_40 = arith.extui %eq3A_39 : i1 to i32
        %cond3A_41 = arith.constant 0 : i32
        %cond3A_42 = arith.cmpi ne, %convert_element_type3A_40, %cond3A_41 : i32
        scf.if %cond3A_42 {
          %dma_wait3A_82 = arith.constant 0 : i32
          %dma_wait3A_83 = arith.constant 0 : i32
          %dma_wait3A_84 = tpu.memref_slice %arg8[%dma_wait3A_82, %dma_wait3A_83] : memref<16x128xi32, #tpu.memory_space<vmem>> -> memref<1x128xi32, #tpu.memory_space<vmem>>
          %dma_wait3A_85 = tpu.memref_squeeze %dma_wait3A_84 : memref<1x128xi32, #tpu.memory_space<vmem>> -> memref<128xi32, #tpu.memory_space<vmem>>
          %dma_wait3A_86 = arith.constant 0 : i32
          %dma_wait3A_87 = arith.constant 0 : i32
          %dma_wait3A_88 = tpu.memref_slice %arg11[%dma_wait3A_86, %dma_wait3A_87] : memref<10016x128xf32, #tpu.memory_space<vmem_shared>> -> memref<10016x128xf32, #tpu.memory_space<vmem_shared>>
          tpu.wait_indirect_dma semaphore(%arg14 : memref<!tpu.dma_semaphore, #tpu.memory_space<semaphore_mem>>) src(%arg9 : memref<128x128xf32, #tpu.memory_space<vmem>>) dst(%dma_wait3A_88 : memref<10016x128xf32, #tpu.memory_space<vmem_shared>>)
          %dma_wait3A_89 = arith.constant 0 : i32
          %dma_wait3A_90 = arith.constant 0 : i32
          %dma_wait3A_91 = tpu.memref_slice %arg8[%dma_wait3A_89, %dma_wait3A_90] : memref<16x128xi32, #tpu.memory_space<vmem>> -> memref<1x128xi32, #tpu.memory_space<vmem>>
          %dma_wait3A_92 = tpu.memref_squeeze %dma_wait3A_91 : memref<1x128xi32, #tpu.memory_space<vmem>> -> memref<128xi32, #tpu.memory_space<vmem>>
          %dma_wait3A_93 = arith.constant 0 : i32
          %dma_wait3A_94 = arith.constant 0 : i32
          %dma_wait3A_95 = tpu.memref_slice %arg11[%dma_wait3A_93, %dma_wait3A_94] : memref<10016x128xf32, #tpu.memory_space<vmem_shared>> -> memref<10016x128xf32, #tpu.memory_space<vmem_shared>>
          tpu.wait_indirect_dma semaphore(%arg15 : memref<!tpu.dma_semaphore, #tpu.memory_space<semaphore_mem>>) src(%arg10 : memref<128x128xf32, #tpu.memory_space<vmem>>) dst(%dma_wait3A_95 : memref<10016x128xf32, #tpu.memory_space<vmem_shared>>)
        } else {
        }
        %dma_start3A = arith.constant 0 : i32
        %dma_start3A_43 = tpu.memref_slice %arg7[%mul3A_37, %dma_start3A] : memref<16x128xi32, #tpu.memory_space<vmem>> -> memref<1x128xi32, #tpu.memory_space<vmem>>
        %dma_start3A_44 = tpu.memref_squeeze %dma_start3A_43 : memref<1x128xi32, #tpu.memory_space<vmem>> -> memref<128xi32, #tpu.memory_space<vmem>>
        %dma_start3A_45 = arith.constant 0 : i32
        %dma_start3A_46 = arith.constant 0 : i32
        %dma_start3A_47 = tpu.memref_slice %arg2[%dma_start3A_45, %dma_start3A_46] : memref<10000x128xf32, #tpu.memory_space<hbm>> -> memref<10000x128xf32, #tpu.memory_space<hbm>>
        tpu.enqueue_indirect_dma source(%dma_start3A_47 : memref<10000x128xf32, #tpu.memory_space<hbm>>) target(%arg9 : memref<128x128xf32, #tpu.memory_space<vmem>>) offsets(%dma_start3A_44 : memref<128xi32, #tpu.memory_space<vmem>>) semaphore(%arg12 : memref<!tpu.dma_semaphore, #tpu.memory_space<semaphore_mem>>)
        %add3A_48 = arith.constant 1 : i32
        %add3A_49 = arith.addi %mul3A_37, %add3A_48 : i32
        %dma_start3A_50 = arith.constant 0 : i32
        %dma_start3A_51 = tpu.memref_slice %arg7[%add3A_49, %dma_start3A_50] : memref<16x128xi32, #tpu.memory_space<vmem>> -> memref<1x128xi32, #tpu.memory_space<vmem>>
        %dma_start3A_52 = tpu.memref_squeeze %dma_start3A_51 : memref<1x128xi32, #tpu.memory_space<vmem>> -> memref<128xi32, #tpu.memory_space<vmem>>
        %dma_start3A_53 = arith.constant 0 : i32
        %dma_start3A_54 = arith.constant 0 : i32
        %dma_start3A_55 = tpu.memref_slice %arg2[%dma_start3A_53, %dma_start3A_54] : memref<10000x128xf32, #tpu.memory_space<hbm>> -> memref<10000x128xf32, #tpu.memory_space<hbm>>
        tpu.enqueue_indirect_dma source(%dma_start3A_55 : memref<10000x128xf32, #tpu.memory_space<hbm>>) target(%arg10 : memref<128x128xf32, #tpu.memory_space<vmem>>) offsets(%dma_start3A_52 : memref<128xi32, #tpu.memory_space<vmem>>) semaphore(%arg13 : memref<!tpu.dma_semaphore, #tpu.memory_space<semaphore_mem>>)
        %dma_wait3A = arith.constant 0 : i32
        %dma_wait3A_56 = tpu.memref_slice %arg7[%mul3A_37, %dma_wait3A] : memref<16x128xi32, #tpu.memory_space<vmem>> -> memref<1x128xi32, #tpu.memory_space<vmem>>
        %dma_wait3A_57 = tpu.memref_squeeze %dma_wait3A_56 : memref<1x128xi32, #tpu.memory_space<vmem>> -> memref<128xi32, #tpu.memory_space<vmem>>
        %dma_wait3A_58 = arith.constant 0 : i32
        %dma_wait3A_59 = arith.constant 0 : i32
        %dma_wait3A_60 = tpu.memref_slice %arg2[%dma_wait3A_58, %dma_wait3A_59] : memref<10000x128xf32, #tpu.memory_space<hbm>> -> memref<10000x128xf32, #tpu.memory_space<hbm>>
        tpu.wait_indirect_dma semaphore(%arg12 : memref<!tpu.dma_semaphore, #tpu.memory_space<semaphore_mem>>) src(%dma_wait3A_60 : memref<10000x128xf32, #tpu.memory_space<hbm>>) dst(%arg9 : memref<128x128xf32, #tpu.memory_space<vmem>>)
        %dma_start3A_61 = arith.constant 0 : i32
        %dma_start3A_62 = tpu.memref_slice %arg8[%mul3A_37, %dma_start3A_61] : memref<16x128xi32, #tpu.memory_space<vmem>> -> memref<1x128xi32, #tpu.memory_space<vmem>>
        %dma_start3A_63 = tpu.memref_squeeze %dma_start3A_62 : memref<1x128xi32, #tpu.memory_space<vmem>> -> memref<128xi32, #tpu.memory_space<vmem>>
        %dma_start3A_64 = arith.constant 0 : i32
        %dma_start3A_65 = arith.constant 0 : i32
        %dma_start3A_66 = tpu.memref_slice %arg11[%dma_start3A_64, %dma_start3A_65] : memref<10016x128xf32, #tpu.memory_space<vmem_shared>> -> memref<10016x128xf32, #tpu.memory_space<vmem_shared>>
        tpu.enqueue_indirect_dma source(%arg9 : memref<128x128xf32, #tpu.memory_space<vmem>>) target(%dma_start3A_66 : memref<10016x128xf32, #tpu.memory_space<vmem_shared>>) offsets(%dma_start3A_63 : memref<128xi32, #tpu.memory_space<vmem>>) semaphore(%arg14 : memref<!tpu.dma_semaphore, #tpu.memory_space<semaphore_mem>>) {add = true}
        %dma_wait3A_67 = arith.constant 0 : i32
        %dma_wait3A_68 = tpu.memref_slice %arg7[%add3A_49, %dma_wait3A_67] : memref<16x128xi32, #tpu.memory_space<vmem>> -> memref<1x128xi32, #tpu.memory_space<vmem>>
        %dma_wait3A_69 = tpu.memref_squeeze %dma_wait3A_68 : memref<1x128xi32, #tpu.memory_space<vmem>> -> memref<128xi32, #tpu.memory_space<vmem>>
        %dma_wait3A_70 = arith.constant 0 : i32
        %dma_wait3A_71 = arith.constant 0 : i32
        %dma_wait3A_72 = tpu.memref_slice %arg2[%dma_wait3A_70, %dma_wait3A_71] : memref<10000x128xf32, #tpu.memory_space<hbm>> -> memref<10000x128xf32, #tpu.memory_space<hbm>>
        tpu.wait_indirect_dma semaphore(%arg13 : memref<!tpu.dma_semaphore, #tpu.memory_space<semaphore_mem>>) src(%dma_wait3A_72 : memref<10000x128xf32, #tpu.memory_space<hbm>>) dst(%arg10 : memref<128x128xf32, #tpu.memory_space<vmem>>)
        %add3A_73 = arith.constant 1 : i32
        %add3A_74 = arith.addi %mul3A_37, %add3A_73 : i32
        %dma_start3A_75 = arith.constant 0 : i32
        %dma_start3A_76 = tpu.memref_slice %arg8[%add3A_74, %dma_start3A_75] : memref<16x128xi32, #tpu.memory_space<vmem>> -> memref<1x128xi32, #tpu.memory_space<vmem>>
        %dma_start3A_77 = tpu.memref_squeeze %dma_start3A_76 : memref<1x128xi32, #tpu.memory_space<vmem>> -> memref<128xi32, #tpu.memory_space<vmem>>
        %dma_start3A_78 = arith.constant 0 : i32
        %dma_start3A_79 = arith.constant 0 : i32
        %dma_start3A_80 = tpu.memref_slice %arg11[%dma_start3A_78, %dma_start3A_79] : memref<10016x128xf32, #tpu.memory_space<vmem_shared>> -> memref<10016x128xf32, #tpu.memory_space<vmem_shared>>
        tpu.enqueue_indirect_dma source(%arg10 : memref<128x128xf32, #tpu.memory_space<vmem>>) target(%dma_start3A_80 : memref<10016x128xf32, #tpu.memory_space<vmem_shared>>) offsets(%dma_start3A_77 : memref<128xi32, #tpu.memory_space<vmem>>) semaphore(%arg15 : memref<!tpu.dma_semaphore, #tpu.memory_space<semaphore_mem>>) {add = true}
        %scan3A_81 = arith.constant 1 : i32
        scf.yield %scan3A_81 : i32
      }
      %scan3A_33 = arith.constant 8 : i32
      scf.yield %scan3A_32 : i32
    }
    %scan3A_8 = arith.constant 5 : i32
    %eq3A = arith.constant 1 : i32
    %eq3A_9 = arith.cmpi eq, %scan3A_7, %eq3A : i32
    %convert_element_type3A = arith.extui %eq3A_9 : i1 to i32
    %cond3A = arith.constant 0 : i32
    %cond3A_10 = arith.cmpi ne, %convert_element_type3A, %cond3A : i32
    scf.if %cond3A_10 {
      %dma_wait3A = arith.constant 0 : i32
      %dma_wait3A_16 = arith.constant 0 : i32
      %dma_wait3A_17 = tpu.memref_slice %arg8[%dma_wait3A, %dma_wait3A_16] : memref<16x128xi32, #tpu.memory_space<vmem>> -> memref<1x128xi32, #tpu.memory_space<vmem>>
      %dma_wait3A_18 = tpu.memref_squeeze %dma_wait3A_17 : memref<1x128xi32, #tpu.memory_space<vmem>> -> memref<128xi32, #tpu.memory_space<vmem>>
      %dma_wait3A_19 = arith.constant 0 : i32
      %dma_wait3A_20 = arith.constant 0 : i32
      %dma_wait3A_21 = tpu.memref_slice %arg11[%dma_wait3A_19, %dma_wait3A_20] : memref<10016x128xf32, #tpu.memory_space<vmem_shared>> -> memref<10016x128xf32, #tpu.memory_space<vmem_shared>>
      tpu.wait_indirect_dma semaphore(%arg14 : memref<!tpu.dma_semaphore, #tpu.memory_space<semaphore_mem>>) src(%arg9 : memref<128x128xf32, #tpu.memory_space<vmem>>) dst(%dma_wait3A_21 : memref<10016x128xf32, #tpu.memory_space<vmem_shared>>)
      %dma_wait3A_22 = arith.constant 0 : i32
      %dma_wait3A_23 = arith.constant 0 : i32
      %dma_wait3A_24 = tpu.memref_slice %arg8[%dma_wait3A_22, %dma_wait3A_23] : memref<16x128xi32, #tpu.memory_space<vmem>> -> memref<1x128xi32, #tpu.memory_space<vmem>>
      %dma_wait3A_25 = tpu.memref_squeeze %dma_wait3A_24 : memref<1x128xi32, #tpu.memory_space<vmem>> -> memref<128xi32, #tpu.memory_space<vmem>>
      %dma_wait3A_26 = arith.constant 0 : i32
      %dma_wait3A_27 = arith.constant 0 : i32
      %dma_wait3A_28 = tpu.memref_slice %arg11[%dma_wait3A_26, %dma_wait3A_27] : memref<10016x128xf32, #tpu.memory_space<vmem_shared>> -> memref<10016x128xf32, #tpu.memory_space<vmem_shared>>
      tpu.wait_indirect_dma semaphore(%arg15 : memref<!tpu.dma_semaphore, #tpu.memory_space<semaphore_mem>>) src(%arg10 : memref<128x128xf32, #tpu.memory_space<vmem>>) dst(%dma_wait3A_28 : memref<10016x128xf32, #tpu.memory_space<vmem_shared>>)
    } else {
    }
    %barrier3A_11 = arith.constant 0 : index
    tpu.barrier barrier_id(%barrier3A_11)
    %mul3A_12 = arith.constant 625 : i32
    %mul3A_13 = arith.muli %arg1, %mul3A_12 : i32
    %mul3A_14 = arith.constant 625 : i32
    %mul3A_15 = arith.muli %arg1, %mul3A_14 : i32
    "tpu.region"() ({
      %run_scoped3A = tpu.sem_alloc : memref<!tpu.dma_semaphore, #tpu.memory_space<semaphore_mem>>
      %dma_start3A = arith.constant 0 : i32
      %dma_start3A_16 = tpu.memref_slice %arg6[%mul3A_15, %arg0, %dma_start3A] : memref<10000x2x128xf32, #tpu.memory_space<hbm>> -> memref<625x1x128xf32, #tpu.memory_space<hbm>>
      %dma_start3A_17 = tpu.memref_squeeze %dma_start3A_16 : memref<625x1x128xf32, #tpu.memory_space<hbm>> -> memref<625x128xf32, #tpu.memory_space<hbm>>
      %dma_start3A_18 = arith.constant 0 : i32
      %dma_start3A_19 = tpu.memref_slice %arg11[%mul3A_13, %dma_start3A_18] : memref<10016x128xf32, #tpu.memory_space<vmem_shared>> -> memref<625x128xf32, #tpu.memory_space<vmem_shared>>
      tpu.enqueue_dma source(%dma_start3A_19 : memref<625x128xf32, #tpu.memory_space<vmem_shared>>) target(%dma_start3A_17 : memref<625x128xf32, #tpu.memory_space<hbm>>) target_semaphore(%run_scoped3A : memref<!tpu.dma_semaphore, #tpu.memory_space<semaphore_mem>>)
      %dma_wait3A = arith.constant 0 : i32
      %dma_wait3A_20 = tpu.memref_slice %arg6[%mul3A_15, %arg0, %dma_wait3A] : memref<10000x2x128xf32, #tpu.memory_space<hbm>> -> memref<625x1x128xf32, #tpu.memory_space<hbm>>
      %dma_wait3A_21 = tpu.memref_squeeze %dma_wait3A_20 : memref<625x1x128xf32, #tpu.memory_space<hbm>> -> memref<625x128xf32, #tpu.memory_space<hbm>>
      %dma_wait3A_22 = arith.constant 0 : i32
      %dma_wait3A_23 = tpu.memref_slice %arg11[%mul3A_13, %dma_wait3A_22] : memref<10016x128xf32, #tpu.memory_space<vmem_shared>> -> memref<625x128xf32, #tpu.memory_space<vmem_shared>>
      tpu.wait_dma2 semaphore(%run_scoped3A : memref<!tpu.dma_semaphore, #tpu.memory_space<semaphore_mem>>) src(%dma_wait3A_23 : memref<625x128xf32, #tpu.memory_space<vmem_shared>>) dst(%dma_wait3A_21 : memref<625x128xf32, #tpu.memory_space<hbm>>)
      tpu.yield
    }) : () -> ()
    return
  }
}

#map = affine_map<(d0, d1) -> (0, 0)>
#map1 = affine_map<(d0, d1) -> (0, 0, 0, 0)>
#map2 = affine_map<(d0, d1) -> (0, 0, 0)>
module attributes {stable_mosaic.version = 14 : i64} {
  func.func @_agg_l23_body(%arg0: i32, %arg1: i32, %arg2: memref<20000x128xf32, #tpu.memory_space<hbm>>, %arg3: memref<2x16x160x128xi32, #tpu.memory_space<hbm>>, %arg4: memref<16x160x128xi32, #tpu.memory_space<hbm>>, %arg5: memref<626x128xf32, #tpu.memory_space<hbm>>, %arg6: memref<10000x2x128xf32, #tpu.memory_space<hbm>>, %arg7: memref<32x128xi32, #tpu.memory_space<vmem>>, %arg8: memref<32x128xi32, #tpu.memory_space<vmem>>, %arg9: memref<128x128xf32, #tpu.memory_space<vmem>>, %arg10: memref<128x128xf32, #tpu.memory_space<vmem>>, %arg11: memref<10016x128xf32, #tpu.memory_space<vmem_shared>>, %arg12: memref<!tpu.dma_semaphore, #tpu.memory_space<semaphore_mem>>, %arg13: memref<!tpu.dma_semaphore, #tpu.memory_space<semaphore_mem>>, %arg14: memref<!tpu.dma_semaphore, #tpu.memory_space<semaphore_mem>>, %arg15: memref<!tpu.dma_semaphore, #tpu.memory_space<semaphore_mem>>) attributes {dimension_semantics = [#tpu.dimension_semantics<core_parallel>, #tpu.dimension_semantics<subcore_parallel>], iteration_bounds = array<i64: 2, 16>, scalar_prefetch = 0 : i64, scratch_operands = 9 : i64, tpu.core_type = #tpu.core_type<sc_vector_subcore>, window_params = [{transform_indices = #map}, {transform_indices = #map1}, {transform_indices = #map2}, {transform_indices = #map}, {transform_indices = #map2}]} {
    %mul3A = arith.constant 626 : i32
    %mul3A_0 = arith.muli %arg1, %mul3A : i32
    "tpu.region"() ({
      %run_scoped3A = tpu.sem_alloc : memref<!tpu.dma_semaphore, #tpu.memory_space<semaphore_mem>>
      %dma_start3A = arith.constant 0 : i32
      %dma_start3A_14 = tpu.memref_slice %arg11[%mul3A_0, %dma_start3A] : memref<10016x128xf32, #tpu.memory_space<vmem_shared>> -> memref<626x128xf32, #tpu.memory_space<vmem_shared>>
      tpu.enqueue_dma source(%arg5 : memref<626x128xf32, #tpu.memory_space<hbm>>) target(%dma_start3A_14 : memref<626x128xf32, #tpu.memory_space<vmem_shared>>) target_semaphore(%run_scoped3A : memref<!tpu.dma_semaphore, #tpu.memory_space<semaphore_mem>>)
      %dma_wait3A = arith.constant 0 : i32
      %dma_wait3A_15 = tpu.memref_slice %arg11[%mul3A_0, %dma_wait3A] : memref<10016x128xf32, #tpu.memory_space<vmem_shared>> -> memref<626x128xf32, #tpu.memory_space<vmem_shared>>
      tpu.wait_dma2 semaphore(%run_scoped3A : memref<!tpu.dma_semaphore, #tpu.memory_space<semaphore_mem>>) src(%arg5 : memref<626x128xf32, #tpu.memory_space<hbm>>) dst(%dma_wait3A_15 : memref<626x128xf32, #tpu.memory_space<vmem_shared>>)
      tpu.yield
    }) : () -> ()
    %barrier3A = arith.constant 0 : index
    tpu.barrier barrier_id(%barrier3A)
    %scan3A = arith.constant 0 : i32
    %scan3A_1 = arith.constant 0 : i32
    %scan3A_2 = arith.constant 5 : i32
    %scan3A_3 = arith.addi %scan3A_1, %scan3A_2 : i32
    %scan3A_4 = arith.constant 1 : i32
    %scan3A_5 = scf.for %scan3A_14 = %scan3A_1 to %scan3A_3 step %scan3A_4 iter_args(%scan3A_15 = %scan3A) -> (i32)  : i32 {
      %eq3A_16 = arith.constant 1 : i32
      %eq3A_17 = arith.cmpi eq, %scan3A_15, %eq3A_16 : i32
      %convert_element_type3A_18 = arith.extui %eq3A_17 : i1 to i32
      %cond3A_19 = arith.constant 0 : i32
      %cond3A_20 = arith.cmpi ne, %convert_element_type3A_18, %cond3A_19 : i32
      scf.if %cond3A_20 {
        %dma_wait3A = arith.constant 0 : i32
        %dma_wait3A_32 = arith.constant 0 : i32
        %dma_wait3A_33 = tpu.memref_slice %arg8[%dma_wait3A, %dma_wait3A_32] : memref<32x128xi32, #tpu.memory_space<vmem>> -> memref<1x128xi32, #tpu.memory_space<vmem>>
        %dma_wait3A_34 = tpu.memref_squeeze %dma_wait3A_33 : memref<1x128xi32, #tpu.memory_space<vmem>> -> memref<128xi32, #tpu.memory_space<vmem>>
        %dma_wait3A_35 = arith.constant 0 : i32
        %dma_wait3A_36 = arith.constant 0 : i32
        %dma_wait3A_37 = tpu.memref_slice %arg11[%dma_wait3A_35, %dma_wait3A_36] : memref<10016x128xf32, #tpu.memory_space<vmem_shared>> -> memref<10016x128xf32, #tpu.memory_space<vmem_shared>>
        tpu.wait_indirect_dma semaphore(%arg14 : memref<!tpu.dma_semaphore, #tpu.memory_space<semaphore_mem>>) src(%arg9 : memref<128x128xf32, #tpu.memory_space<vmem>>) dst(%dma_wait3A_37 : memref<10016x128xf32, #tpu.memory_space<vmem_shared>>)
        %dma_wait3A_38 = arith.constant 0 : i32
        %dma_wait3A_39 = arith.constant 0 : i32
        %dma_wait3A_40 = tpu.memref_slice %arg8[%dma_wait3A_38, %dma_wait3A_39] : memref<32x128xi32, #tpu.memory_space<vmem>> -> memref<1x128xi32, #tpu.memory_space<vmem>>
        %dma_wait3A_41 = tpu.memref_squeeze %dma_wait3A_40 : memref<1x128xi32, #tpu.memory_space<vmem>> -> memref<128xi32, #tpu.memory_space<vmem>>
        %dma_wait3A_42 = arith.constant 0 : i32
        %dma_wait3A_43 = arith.constant 0 : i32
        %dma_wait3A_44 = tpu.memref_slice %arg11[%dma_wait3A_42, %dma_wait3A_43] : memref<10016x128xf32, #tpu.memory_space<vmem_shared>> -> memref<10016x128xf32, #tpu.memory_space<vmem_shared>>
        tpu.wait_indirect_dma semaphore(%arg15 : memref<!tpu.dma_semaphore, #tpu.memory_space<semaphore_mem>>) src(%arg10 : memref<128x128xf32, #tpu.memory_space<vmem>>) dst(%dma_wait3A_44 : memref<10016x128xf32, #tpu.memory_space<vmem_shared>>)
      } else {
      }
      %mul3A_21 = arith.constant 32 : i32
      %mul3A_22 = arith.muli %scan3A_14, %mul3A_21 : i32
      "tpu.region"() ({
        %run_scoped3A = tpu.sem_alloc : memref<!tpu.dma_semaphore, #tpu.memory_space<semaphore_mem>>
        %dma_start3A = arith.constant 0 : i32
        %dma_start3A_32 = tpu.memref_slice %arg3[%arg0, %arg1, %mul3A_22, %dma_start3A] : memref<2x16x160x128xi32, #tpu.memory_space<hbm>> -> memref<1x1x32x128xi32, #tpu.memory_space<hbm>>
        %dma_start3A_33 = tpu.memref_squeeze %dma_start3A_32 : memref<1x1x32x128xi32, #tpu.memory_space<hbm>> -> memref<32x128xi32, #tpu.memory_space<hbm>>
        %dma_start3A_34 = arith.constant 0 : i32
        %dma_start3A_35 = tpu.memref_slice %arg3[%arg0, %arg1, %mul3A_22, %dma_start3A_34] : memref<2x16x160x128xi32, #tpu.memory_space<hbm>> -> memref<1x1x32x128xi32, #tpu.memory_space<hbm>>
        %dma_start3A_36 = tpu.memref_squeeze %dma_start3A_35 : memref<1x1x32x128xi32, #tpu.memory_space<hbm>> -> memref<32x128xi32, #tpu.memory_space<hbm>>
        tpu.enqueue_dma source(%dma_start3A_36 : memref<32x128xi32, #tpu.memory_space<hbm>>) target(%arg7 : memref<32x128xi32, #tpu.memory_space<vmem>>) target_semaphore(%run_scoped3A : memref<!tpu.dma_semaphore, #tpu.memory_space<semaphore_mem>>)
        %dma_wait3A = arith.constant 0 : i32
        %dma_wait3A_37 = tpu.memref_slice %arg3[%arg0, %arg1, %mul3A_22, %dma_wait3A] : memref<2x16x160x128xi32, #tpu.memory_space<hbm>> -> memref<1x1x32x128xi32, #tpu.memory_space<hbm>>
        %dma_wait3A_38 = tpu.memref_squeeze %dma_wait3A_37 : memref<1x1x32x128xi32, #tpu.memory_space<hbm>> -> memref<32x128xi32, #tpu.memory_space<hbm>>
        %dma_wait3A_39 = arith.constant 0 : i32
        %dma_wait3A_40 = tpu.memref_slice %arg3[%arg0, %arg1, %mul3A_22, %dma_wait3A_39] : memref<2x16x160x128xi32, #tpu.memory_space<hbm>> -> memref<1x1x32x128xi32, #tpu.memory_space<hbm>>
        %dma_wait3A_41 = tpu.memref_squeeze %dma_wait3A_40 : memref<1x1x32x128xi32, #tpu.memory_space<hbm>> -> memref<32x128xi32, #tpu.memory_space<hbm>>
        tpu.wait_dma2 semaphore(%run_scoped3A : memref<!tpu.dma_semaphore, #tpu.memory_space<semaphore_mem>>) src(%dma_wait3A_41 : memref<32x128xi32, #tpu.memory_space<hbm>>) dst(%arg7 : memref<32x128xi32, #tpu.memory_space<vmem>>)
        tpu.yield
      }) : () -> ()
      %mul3A_23 = arith.constant 32 : i32
      %mul3A_24 = arith.muli %scan3A_14, %mul3A_23 : i32
      "tpu.region"() ({
        %run_scoped3A = tpu.sem_alloc : memref<!tpu.dma_semaphore, #tpu.memory_space<semaphore_mem>>
        %dma_start3A = arith.constant 0 : i32
        %dma_start3A_32 = tpu.memref_slice %arg4[%arg1, %mul3A_24, %dma_start3A] : memref<16x160x128xi32, #tpu.memory_space<hbm>> -> memref<1x32x128xi32, #tpu.memory_space<hbm>>
        %dma_start3A_33 = tpu.memref_squeeze %dma_start3A_32 : memref<1x32x128xi32, #tpu.memory_space<hbm>> -> memref<32x128xi32, #tpu.memory_space<hbm>>
        %dma_start3A_34 = arith.constant 0 : i32
        %dma_start3A_35 = tpu.memref_slice %arg4[%arg1, %mul3A_24, %dma_start3A_34] : memref<16x160x128xi32, #tpu.memory_space<hbm>> -> memref<1x32x128xi32, #tpu.memory_space<hbm>>
        %dma_start3A_36 = tpu.memref_squeeze %dma_start3A_35 : memref<1x32x128xi32, #tpu.memory_space<hbm>> -> memref<32x128xi32, #tpu.memory_space<hbm>>
        tpu.enqueue_dma source(%dma_start3A_36 : memref<32x128xi32, #tpu.memory_space<hbm>>) target(%arg8 : memref<32x128xi32, #tpu.memory_space<vmem>>) target_semaphore(%run_scoped3A : memref<!tpu.dma_semaphore, #tpu.memory_space<semaphore_mem>>)
        %dma_wait3A = arith.constant 0 : i32
        %dma_wait3A_37 = tpu.memref_slice %arg4[%arg1, %mul3A_24, %dma_wait3A] : memref<16x160x128xi32, #tpu.memory_space<hbm>> -> memref<1x32x128xi32, #tpu.memory_space<hbm>>
        %dma_wait3A_38 = tpu.memref_squeeze %dma_wait3A_37 : memref<1x32x128xi32, #tpu.memory_space<hbm>> -> memref<32x128xi32, #tpu.memory_space<hbm>>
        %dma_wait3A_39 = arith.constant 0 : i32
        %dma_wait3A_40 = tpu.memref_slice %arg4[%arg1, %mul3A_24, %dma_wait3A_39] : memref<16x160x128xi32, #tpu.memory_space<hbm>> -> memref<1x32x128xi32, #tpu.memory_space<hbm>>
        %dma_wait3A_41 = tpu.memref_squeeze %dma_wait3A_40 : memref<1x32x128xi32, #tpu.memory_space<hbm>> -> memref<32x128xi32, #tpu.memory_space<hbm>>
        tpu.wait_dma2 semaphore(%run_scoped3A : memref<!tpu.dma_semaphore, #tpu.memory_space<semaphore_mem>>) src(%dma_wait3A_41 : memref<32x128xi32, #tpu.memory_space<hbm>>) dst(%arg8 : memref<32x128xi32, #tpu.memory_space<vmem>>)
        tpu.yield
      }) : () -> ()
      %scan3A_25 = arith.constant 0 : i32
      %scan3A_26 = arith.constant 0 : i32
      %scan3A_27 = arith.constant 16 : i32
      %scan3A_28 = arith.addi %scan3A_26, %scan3A_27 : i32
      %scan3A_29 = arith.constant 1 : i32
      %scan3A_30 = scf.for %scan3A_32 = %scan3A_26 to %scan3A_28 step %scan3A_29 iter_args(%scan3A_33 = %scan3A_25) -> (i32)  : i32 {
        %mul3A_34 = arith.constant 2 : i32
        %mul3A_35 = arith.muli %mul3A_34, %scan3A_32 : i32
        %eq3A_36 = arith.constant 1 : i32
        %eq3A_37 = arith.cmpi eq, %scan3A_33, %eq3A_36 : i32
        %convert_element_type3A_38 = arith.extui %eq3A_37 : i1 to i32
        %cond3A_39 = arith.constant 0 : i32
        %cond3A_40 = arith.cmpi ne, %convert_element_type3A_38, %cond3A_39 : i32
        scf.if %cond3A_40 {
          %dma_wait3A_79 = arith.constant 0 : i32
          %dma_wait3A_80 = arith.constant 0 : i32
          %dma_wait3A_81 = tpu.memref_slice %arg8[%dma_wait3A_79, %dma_wait3A_80] : memref<32x128xi32, #tpu.memory_space<vmem>> -> memref<1x128xi32, #tpu.memory_space<vmem>>
          %dma_wait3A_82 = tpu.memref_squeeze %dma_wait3A_81 : memref<1x128xi32, #tpu.memory_space<vmem>> -> memref<128xi32, #tpu.memory_space<vmem>>
          %dma_wait3A_83 = arith.constant 0 : i32
          %dma_wait3A_84 = arith.constant 0 : i32
          %dma_wait3A_85 = tpu.memref_slice %arg11[%dma_wait3A_83, %dma_wait3A_84] : memref<10016x128xf32, #tpu.memory_space<vmem_shared>> -> memref<10016x128xf32, #tpu.memory_space<vmem_shared>>
          tpu.wait_indirect_dma semaphore(%arg14 : memref<!tpu.dma_semaphore, #tpu.memory_space<semaphore_mem>>) src(%arg9 : memref<128x128xf32, #tpu.memory_space<vmem>>) dst(%dma_wait3A_85 : memref<10016x128xf32, #tpu.memory_space<vmem_shared>>)
          %dma_wait3A_86 = arith.constant 0 : i32
          %dma_wait3A_87 = arith.constant 0 : i32
          %dma_wait3A_88 = tpu.memref_slice %arg8[%dma_wait3A_86, %dma_wait3A_87] : memref<32x128xi32, #tpu.memory_space<vmem>> -> memref<1x128xi32, #tpu.memory_space<vmem>>
          %dma_wait3A_89 = tpu.memref_squeeze %dma_wait3A_88 : memref<1x128xi32, #tpu.memory_space<vmem>> -> memref<128xi32, #tpu.memory_space<vmem>>
          %dma_wait3A_90 = arith.constant 0 : i32
          %dma_wait3A_91 = arith.constant 0 : i32
          %dma_wait3A_92 = tpu.memref_slice %arg11[%dma_wait3A_90, %dma_wait3A_91] : memref<10016x128xf32, #tpu.memory_space<vmem_shared>> -> memref<10016x128xf32, #tpu.memory_space<vmem_shared>>
          tpu.wait_indirect_dma semaphore(%arg15 : memref<!tpu.dma_semaphore, #tpu.memory_space<semaphore_mem>>) src(%arg10 : memref<128x128xf32, #tpu.memory_space<vmem>>) dst(%dma_wait3A_92 : memref<10016x128xf32, #tpu.memory_space<vmem_shared>>)
        } else {
        }
        %dma_start3A = arith.constant 0 : i32
        %dma_start3A_41 = tpu.memref_slice %arg7[%mul3A_35, %dma_start3A] : memref<32x128xi32, #tpu.memory_space<vmem>> -> memref<1x128xi32, #tpu.memory_space<vmem>>
        %dma_start3A_42 = tpu.memref_squeeze %dma_start3A_41 : memref<1x128xi32, #tpu.memory_space<vmem>> -> memref<128xi32, #tpu.memory_space<vmem>>
        %dma_start3A_43 = arith.constant 0 : i32
        %dma_start3A_44 = arith.constant 0 : i32
        %dma_start3A_45 = tpu.memref_slice %arg2[%dma_start3A_43, %dma_start3A_44] : memref<20000x128xf32, #tpu.memory_space<hbm>> -> memref<20000x128xf32, #tpu.memory_space<hbm>>
        tpu.enqueue_indirect_dma source(%dma_start3A_45 : memref<20000x128xf32, #tpu.memory_space<hbm>>) target(%arg9 : memref<128x128xf32, #tpu.memory_space<vmem>>) offsets(%dma_start3A_42 : memref<128xi32, #tpu.memory_space<vmem>>) semaphore(%arg12 : memref<!tpu.dma_semaphore, #tpu.memory_space<semaphore_mem>>)
        %add3A = arith.constant 1 : i32
        %add3A_46 = arith.addi %mul3A_35, %add3A : i32
        %dma_start3A_47 = arith.constant 0 : i32
        %dma_start3A_48 = tpu.memref_slice %arg7[%add3A_46, %dma_start3A_47] : memref<32x128xi32, #tpu.memory_space<vmem>> -> memref<1x128xi32, #tpu.memory_space<vmem>>
        %dma_start3A_49 = tpu.memref_squeeze %dma_start3A_48 : memref<1x128xi32, #tpu.memory_space<vmem>> -> memref<128xi32, #tpu.memory_space<vmem>>
        %dma_start3A_50 = arith.constant 0 : i32
        %dma_start3A_51 = arith.constant 0 : i32
        %dma_start3A_52 = tpu.memref_slice %arg2[%dma_start3A_50, %dma_start3A_51] : memref<20000x128xf32, #tpu.memory_space<hbm>> -> memref<20000x128xf32, #tpu.memory_space<hbm>>
        tpu.enqueue_indirect_dma source(%dma_start3A_52 : memref<20000x128xf32, #tpu.memory_space<hbm>>) target(%arg10 : memref<128x128xf32, #tpu.memory_space<vmem>>) offsets(%dma_start3A_49 : memref<128xi32, #tpu.memory_space<vmem>>) semaphore(%arg13 : memref<!tpu.dma_semaphore, #tpu.memory_space<semaphore_mem>>)
        %dma_wait3A = arith.constant 0 : i32
        %dma_wait3A_53 = tpu.memref_slice %arg7[%mul3A_35, %dma_wait3A] : memref<32x128xi32, #tpu.memory_space<vmem>> -> memref<1x128xi32, #tpu.memory_space<vmem>>
        %dma_wait3A_54 = tpu.memref_squeeze %dma_wait3A_53 : memref<1x128xi32, #tpu.memory_space<vmem>> -> memref<128xi32, #tpu.memory_space<vmem>>
        %dma_wait3A_55 = arith.constant 0 : i32
        %dma_wait3A_56 = arith.constant 0 : i32
        %dma_wait3A_57 = tpu.memref_slice %arg2[%dma_wait3A_55, %dma_wait3A_56] : memref<20000x128xf32, #tpu.memory_space<hbm>> -> memref<20000x128xf32, #tpu.memory_space<hbm>>
        tpu.wait_indirect_dma semaphore(%arg12 : memref<!tpu.dma_semaphore, #tpu.memory_space<semaphore_mem>>) src(%dma_wait3A_57 : memref<20000x128xf32, #tpu.memory_space<hbm>>) dst(%arg9 : memref<128x128xf32, #tpu.memory_space<vmem>>)
        %dma_start3A_58 = arith.constant 0 : i32
        %dma_start3A_59 = tpu.memref_slice %arg8[%mul3A_35, %dma_start3A_58] : memref<32x128xi32, #tpu.memory_space<vmem>> -> memref<1x128xi32, #tpu.memory_space<vmem>>
        %dma_start3A_60 = tpu.memref_squeeze %dma_start3A_59 : memref<1x128xi32, #tpu.memory_space<vmem>> -> memref<128xi32, #tpu.memory_space<vmem>>
        %dma_start3A_61 = arith.constant 0 : i32
        %dma_start3A_62 = arith.constant 0 : i32
        %dma_start3A_63 = tpu.memref_slice %arg11[%dma_start3A_61, %dma_start3A_62] : memref<10016x128xf32, #tpu.memory_space<vmem_shared>> -> memref<10016x128xf32, #tpu.memory_space<vmem_shared>>
        tpu.enqueue_indirect_dma source(%arg9 : memref<128x128xf32, #tpu.memory_space<vmem>>) target(%dma_start3A_63 : memref<10016x128xf32, #tpu.memory_space<vmem_shared>>) offsets(%dma_start3A_60 : memref<128xi32, #tpu.memory_space<vmem>>) semaphore(%arg14 : memref<!tpu.dma_semaphore, #tpu.memory_space<semaphore_mem>>) {add = true}
        %dma_wait3A_64 = arith.constant 0 : i32
        %dma_wait3A_65 = tpu.memref_slice %arg7[%add3A_46, %dma_wait3A_64] : memref<32x128xi32, #tpu.memory_space<vmem>> -> memref<1x128xi32, #tpu.memory_space<vmem>>
        %dma_wait3A_66 = tpu.memref_squeeze %dma_wait3A_65 : memref<1x128xi32, #tpu.memory_space<vmem>> -> memref<128xi32, #tpu.memory_space<vmem>>
        %dma_wait3A_67 = arith.constant 0 : i32
        %dma_wait3A_68 = arith.constant 0 : i32
        %dma_wait3A_69 = tpu.memref_slice %arg2[%dma_wait3A_67, %dma_wait3A_68] : memref<20000x128xf32, #tpu.memory_space<hbm>> -> memref<20000x128xf32, #tpu.memory_space<hbm>>
        tpu.wait_indirect_dma semaphore(%arg13 : memref<!tpu.dma_semaphore, #tpu.memory_space<semaphore_mem>>) src(%dma_wait3A_69 : memref<20000x128xf32, #tpu.memory_space<hbm>>) dst(%arg10 : memref<128x128xf32, #tpu.memory_space<vmem>>)
        %add3A_70 = arith.constant 1 : i32
        %add3A_71 = arith.addi %mul3A_35, %add3A_70 : i32
        %dma_start3A_72 = arith.constant 0 : i32
        %dma_start3A_73 = tpu.memref_slice %arg8[%add3A_71, %dma_start3A_72] : memref<32x128xi32, #tpu.memory_space<vmem>> -> memref<1x128xi32, #tpu.memory_space<vmem>>
        %dma_start3A_74 = tpu.memref_squeeze %dma_start3A_73 : memref<1x128xi32, #tpu.memory_space<vmem>> -> memref<128xi32, #tpu.memory_space<vmem>>
        %dma_start3A_75 = arith.constant 0 : i32
        %dma_start3A_76 = arith.constant 0 : i32
        %dma_start3A_77 = tpu.memref_slice %arg11[%dma_start3A_75, %dma_start3A_76] : memref<10016x128xf32, #tpu.memory_space<vmem_shared>> -> memref<10016x128xf32, #tpu.memory_space<vmem_shared>>
        tpu.enqueue_indirect_dma source(%arg10 : memref<128x128xf32, #tpu.memory_space<vmem>>) target(%dma_start3A_77 : memref<10016x128xf32, #tpu.memory_space<vmem_shared>>) offsets(%dma_start3A_74 : memref<128xi32, #tpu.memory_space<vmem>>) semaphore(%arg15 : memref<!tpu.dma_semaphore, #tpu.memory_space<semaphore_mem>>) {add = true}
        %scan3A_78 = arith.constant 1 : i32
        scf.yield %scan3A_78 : i32
      }
      %scan3A_31 = arith.constant 16 : i32
      scf.yield %scan3A_30 : i32
    }
    %scan3A_6 = arith.constant 5 : i32
    %eq3A = arith.constant 1 : i32
    %eq3A_7 = arith.cmpi eq, %scan3A_5, %eq3A : i32
    %convert_element_type3A = arith.extui %eq3A_7 : i1 to i32
    %cond3A = arith.constant 0 : i32
    %cond3A_8 = arith.cmpi ne, %convert_element_type3A, %cond3A : i32
    scf.if %cond3A_8 {
      %dma_wait3A = arith.constant 0 : i32
      %dma_wait3A_14 = arith.constant 0 : i32
      %dma_wait3A_15 = tpu.memref_slice %arg8[%dma_wait3A, %dma_wait3A_14] : memref<32x128xi32, #tpu.memory_space<vmem>> -> memref<1x128xi32, #tpu.memory_space<vmem>>
      %dma_wait3A_16 = tpu.memref_squeeze %dma_wait3A_15 : memref<1x128xi32, #tpu.memory_space<vmem>> -> memref<128xi32, #tpu.memory_space<vmem>>
      %dma_wait3A_17 = arith.constant 0 : i32
      %dma_wait3A_18 = arith.constant 0 : i32
      %dma_wait3A_19 = tpu.memref_slice %arg11[%dma_wait3A_17, %dma_wait3A_18] : memref<10016x128xf32, #tpu.memory_space<vmem_shared>> -> memref<10016x128xf32, #tpu.memory_space<vmem_shared>>
      tpu.wait_indirect_dma semaphore(%arg14 : memref<!tpu.dma_semaphore, #tpu.memory_space<semaphore_mem>>) src(%arg9 : memref<128x128xf32, #tpu.memory_space<vmem>>) dst(%dma_wait3A_19 : memref<10016x128xf32, #tpu.memory_space<vmem_shared>>)
      %dma_wait3A_20 = arith.constant 0 : i32
      %dma_wait3A_21 = arith.constant 0 : i32
      %dma_wait3A_22 = tpu.memref_slice %arg8[%dma_wait3A_20, %dma_wait3A_21] : memref<32x128xi32, #tpu.memory_space<vmem>> -> memref<1x128xi32, #tpu.memory_space<vmem>>
      %dma_wait3A_23 = tpu.memref_squeeze %dma_wait3A_22 : memref<1x128xi32, #tpu.memory_space<vmem>> -> memref<128xi32, #tpu.memory_space<vmem>>
      %dma_wait3A_24 = arith.constant 0 : i32
      %dma_wait3A_25 = arith.constant 0 : i32
      %dma_wait3A_26 = tpu.memref_slice %arg11[%dma_wait3A_24, %dma_wait3A_25] : memref<10016x128xf32, #tpu.memory_space<vmem_shared>> -> memref<10016x128xf32, #tpu.memory_space<vmem_shared>>
      tpu.wait_indirect_dma semaphore(%arg15 : memref<!tpu.dma_semaphore, #tpu.memory_space<semaphore_mem>>) src(%arg10 : memref<128x128xf32, #tpu.memory_space<vmem>>) dst(%dma_wait3A_26 : memref<10016x128xf32, #tpu.memory_space<vmem_shared>>)
    } else {
    }
    %barrier3A_9 = arith.constant 0 : index
    tpu.barrier barrier_id(%barrier3A_9)
    %mul3A_10 = arith.constant 625 : i32
    %mul3A_11 = arith.muli %arg1, %mul3A_10 : i32
    %mul3A_12 = arith.constant 625 : i32
    %mul3A_13 = arith.muli %arg1, %mul3A_12 : i32
    "tpu.region"() ({
      %run_scoped3A = tpu.sem_alloc : memref<!tpu.dma_semaphore, #tpu.memory_space<semaphore_mem>>
      %dma_start3A = arith.constant 0 : i32
      %dma_start3A_14 = tpu.memref_slice %arg6[%mul3A_13, %arg0, %dma_start3A] : memref<10000x2x128xf32, #tpu.memory_space<hbm>> -> memref<625x1x128xf32, #tpu.memory_space<hbm>>
      %dma_start3A_15 = tpu.memref_squeeze %dma_start3A_14 : memref<625x1x128xf32, #tpu.memory_space<hbm>> -> memref<625x128xf32, #tpu.memory_space<hbm>>
      %dma_start3A_16 = arith.constant 0 : i32
      %dma_start3A_17 = tpu.memref_slice %arg11[%mul3A_11, %dma_start3A_16] : memref<10016x128xf32, #tpu.memory_space<vmem_shared>> -> memref<625x128xf32, #tpu.memory_space<vmem_shared>>
      tpu.enqueue_dma source(%dma_start3A_17 : memref<625x128xf32, #tpu.memory_space<vmem_shared>>) target(%dma_start3A_15 : memref<625x128xf32, #tpu.memory_space<hbm>>) target_semaphore(%run_scoped3A : memref<!tpu.dma_semaphore, #tpu.memory_space<semaphore_mem>>)
      %dma_wait3A = arith.constant 0 : i32
      %dma_wait3A_18 = tpu.memref_slice %arg6[%mul3A_13, %arg0, %dma_wait3A] : memref<10000x2x128xf32, #tpu.memory_space<hbm>> -> memref<625x1x128xf32, #tpu.memory_space<hbm>>
      %dma_wait3A_19 = tpu.memref_squeeze %dma_wait3A_18 : memref<625x1x128xf32, #tpu.memory_space<hbm>> -> memref<625x128xf32, #tpu.memory_space<hbm>>
      %dma_wait3A_20 = arith.constant 0 : i32
      %dma_wait3A_21 = tpu.memref_slice %arg11[%mul3A_11, %dma_wait3A_20] : memref<10016x128xf32, #tpu.memory_space<vmem_shared>> -> memref<625x128xf32, #tpu.memory_space<vmem_shared>>
      tpu.wait_dma2 semaphore(%run_scoped3A : memref<!tpu.dma_semaphore, #tpu.memory_space<semaphore_mem>>) src(%dma_wait3A_21 : memref<625x128xf32, #tpu.memory_space<vmem_shared>>) dst(%dma_wait3A_19 : memref<625x128xf32, #tpu.memory_space<hbm>>)
      tpu.yield
    }) : () -> ()
    return
  }
}

#map = affine_map<(d0, d1) -> (0, 0)>
#map1 = affine_map<(d0, d1) -> (0, 0, 0, 0)>
#map2 = affine_map<(d0, d1) -> (0, 0, 0)>
module attributes {stable_mosaic.version = 14 : i64} {
  func.func @_agg_l23_body(%arg0: i32, %arg1: i32, %arg2: memref<20000x128xf32, #tpu.memory_space<hbm>>, %arg3: memref<2x16x160x128xi32, #tpu.memory_space<hbm>>, %arg4: memref<16x160x128xi32, #tpu.memory_space<hbm>>, %arg5: memref<626x128xf32, #tpu.memory_space<hbm>>, %arg6: memref<10000x2x128xf32, #tpu.memory_space<hbm>>, %arg7: memref<32x128xi32, #tpu.memory_space<vmem>>, %arg8: memref<32x128xi32, #tpu.memory_space<vmem>>, %arg9: memref<128x128xf32, #tpu.memory_space<vmem>>, %arg10: memref<128x128xf32, #tpu.memory_space<vmem>>, %arg11: memref<10016x128xf32, #tpu.memory_space<vmem_shared>>, %arg12: memref<!tpu.dma_semaphore, #tpu.memory_space<semaphore_mem>>, %arg13: memref<!tpu.dma_semaphore, #tpu.memory_space<semaphore_mem>>, %arg14: memref<!tpu.dma_semaphore, #tpu.memory_space<semaphore_mem>>, %arg15: memref<!tpu.dma_semaphore, #tpu.memory_space<semaphore_mem>>) attributes {dimension_semantics = [#tpu.dimension_semantics<core_parallel>, #tpu.dimension_semantics<subcore_parallel>], iteration_bounds = array<i64: 2, 16>, scalar_prefetch = 0 : i64, scratch_operands = 9 : i64, tpu.core_type = #tpu.core_type<sc_vector_subcore>, window_params = [{transform_indices = #map}, {transform_indices = #map1}, {transform_indices = #map2}, {transform_indices = #map}, {transform_indices = #map2}]} {
    %mul3A = arith.constant 626 : i32
    %mul3A_0 = arith.muli %arg1, %mul3A : i32
    "tpu.region"() ({
      %run_scoped3A = tpu.sem_alloc : memref<!tpu.dma_semaphore, #tpu.memory_space<semaphore_mem>>
      %dma_start3A = arith.constant 0 : i32
      %dma_start3A_14 = tpu.memref_slice %arg11[%mul3A_0, %dma_start3A] : memref<10016x128xf32, #tpu.memory_space<vmem_shared>> -> memref<626x128xf32, #tpu.memory_space<vmem_shared>>
      tpu.enqueue_dma source(%arg5 : memref<626x128xf32, #tpu.memory_space<hbm>>) target(%dma_start3A_14 : memref<626x128xf32, #tpu.memory_space<vmem_shared>>) target_semaphore(%run_scoped3A : memref<!tpu.dma_semaphore, #tpu.memory_space<semaphore_mem>>)
      %dma_wait3A = arith.constant 0 : i32
      %dma_wait3A_15 = tpu.memref_slice %arg11[%mul3A_0, %dma_wait3A] : memref<10016x128xf32, #tpu.memory_space<vmem_shared>> -> memref<626x128xf32, #tpu.memory_space<vmem_shared>>
      tpu.wait_dma2 semaphore(%run_scoped3A : memref<!tpu.dma_semaphore, #tpu.memory_space<semaphore_mem>>) src(%arg5 : memref<626x128xf32, #tpu.memory_space<hbm>>) dst(%dma_wait3A_15 : memref<626x128xf32, #tpu.memory_space<vmem_shared>>)
      tpu.yield
    }) : () -> ()
    %barrier3A = arith.constant 0 : index
    tpu.barrier barrier_id(%barrier3A)
    %scan3A = arith.constant 0 : i32
    %scan3A_1 = arith.constant 0 : i32
    %scan3A_2 = arith.constant 5 : i32
    %scan3A_3 = arith.addi %scan3A_1, %scan3A_2 : i32
    %scan3A_4 = arith.constant 1 : i32
    %scan3A_5 = scf.for %scan3A_14 = %scan3A_1 to %scan3A_3 step %scan3A_4 iter_args(%scan3A_15 = %scan3A) -> (i32)  : i32 {
      %eq3A_16 = arith.constant 1 : i32
      %eq3A_17 = arith.cmpi eq, %scan3A_15, %eq3A_16 : i32
      %convert_element_type3A_18 = arith.extui %eq3A_17 : i1 to i32
      %cond3A_19 = arith.constant 0 : i32
      %cond3A_20 = arith.cmpi ne, %convert_element_type3A_18, %cond3A_19 : i32
      scf.if %cond3A_20 {
        %dma_wait3A = arith.constant 0 : i32
        %dma_wait3A_32 = arith.constant 0 : i32
        %dma_wait3A_33 = tpu.memref_slice %arg8[%dma_wait3A, %dma_wait3A_32] : memref<32x128xi32, #tpu.memory_space<vmem>> -> memref<1x128xi32, #tpu.memory_space<vmem>>
        %dma_wait3A_34 = tpu.memref_squeeze %dma_wait3A_33 : memref<1x128xi32, #tpu.memory_space<vmem>> -> memref<128xi32, #tpu.memory_space<vmem>>
        %dma_wait3A_35 = arith.constant 0 : i32
        %dma_wait3A_36 = arith.constant 0 : i32
        %dma_wait3A_37 = tpu.memref_slice %arg11[%dma_wait3A_35, %dma_wait3A_36] : memref<10016x128xf32, #tpu.memory_space<vmem_shared>> -> memref<10016x128xf32, #tpu.memory_space<vmem_shared>>
        tpu.wait_indirect_dma semaphore(%arg14 : memref<!tpu.dma_semaphore, #tpu.memory_space<semaphore_mem>>) src(%arg9 : memref<128x128xf32, #tpu.memory_space<vmem>>) dst(%dma_wait3A_37 : memref<10016x128xf32, #tpu.memory_space<vmem_shared>>)
        %dma_wait3A_38 = arith.constant 0 : i32
        %dma_wait3A_39 = arith.constant 0 : i32
        %dma_wait3A_40 = tpu.memref_slice %arg8[%dma_wait3A_38, %dma_wait3A_39] : memref<32x128xi32, #tpu.memory_space<vmem>> -> memref<1x128xi32, #tpu.memory_space<vmem>>
        %dma_wait3A_41 = tpu.memref_squeeze %dma_wait3A_40 : memref<1x128xi32, #tpu.memory_space<vmem>> -> memref<128xi32, #tpu.memory_space<vmem>>
        %dma_wait3A_42 = arith.constant 0 : i32
        %dma_wait3A_43 = arith.constant 0 : i32
        %dma_wait3A_44 = tpu.memref_slice %arg11[%dma_wait3A_42, %dma_wait3A_43] : memref<10016x128xf32, #tpu.memory_space<vmem_shared>> -> memref<10016x128xf32, #tpu.memory_space<vmem_shared>>
        tpu.wait_indirect_dma semaphore(%arg15 : memref<!tpu.dma_semaphore, #tpu.memory_space<semaphore_mem>>) src(%arg10 : memref<128x128xf32, #tpu.memory_space<vmem>>) dst(%dma_wait3A_44 : memref<10016x128xf32, #tpu.memory_space<vmem_shared>>)
      } else {
      }
      %mul3A_21 = arith.constant 32 : i32
      %mul3A_22 = arith.muli %scan3A_14, %mul3A_21 : i32
      "tpu.region"() ({
        %run_scoped3A = tpu.sem_alloc : memref<!tpu.dma_semaphore, #tpu.memory_space<semaphore_mem>>
        %dma_start3A = arith.constant 0 : i32
        %dma_start3A_32 = tpu.memref_slice %arg3[%arg0, %arg1, %mul3A_22, %dma_start3A] : memref<2x16x160x128xi32, #tpu.memory_space<hbm>> -> memref<1x1x32x128xi32, #tpu.memory_space<hbm>>
        %dma_start3A_33 = tpu.memref_squeeze %dma_start3A_32 : memref<1x1x32x128xi32, #tpu.memory_space<hbm>> -> memref<32x128xi32, #tpu.memory_space<hbm>>
        %dma_start3A_34 = arith.constant 0 : i32
        %dma_start3A_35 = tpu.memref_slice %arg3[%arg0, %arg1, %mul3A_22, %dma_start3A_34] : memref<2x16x160x128xi32, #tpu.memory_space<hbm>> -> memref<1x1x32x128xi32, #tpu.memory_space<hbm>>
        %dma_start3A_36 = tpu.memref_squeeze %dma_start3A_35 : memref<1x1x32x128xi32, #tpu.memory_space<hbm>> -> memref<32x128xi32, #tpu.memory_space<hbm>>
        tpu.enqueue_dma source(%dma_start3A_36 : memref<32x128xi32, #tpu.memory_space<hbm>>) target(%arg7 : memref<32x128xi32, #tpu.memory_space<vmem>>) target_semaphore(%run_scoped3A : memref<!tpu.dma_semaphore, #tpu.memory_space<semaphore_mem>>)
        %dma_wait3A = arith.constant 0 : i32
        %dma_wait3A_37 = tpu.memref_slice %arg3[%arg0, %arg1, %mul3A_22, %dma_wait3A] : memref<2x16x160x128xi32, #tpu.memory_space<hbm>> -> memref<1x1x32x128xi32, #tpu.memory_space<hbm>>
        %dma_wait3A_38 = tpu.memref_squeeze %dma_wait3A_37 : memref<1x1x32x128xi32, #tpu.memory_space<hbm>> -> memref<32x128xi32, #tpu.memory_space<hbm>>
        %dma_wait3A_39 = arith.constant 0 : i32
        %dma_wait3A_40 = tpu.memref_slice %arg3[%arg0, %arg1, %mul3A_22, %dma_wait3A_39] : memref<2x16x160x128xi32, #tpu.memory_space<hbm>> -> memref<1x1x32x128xi32, #tpu.memory_space<hbm>>
        %dma_wait3A_41 = tpu.memref_squeeze %dma_wait3A_40 : memref<1x1x32x128xi32, #tpu.memory_space<hbm>> -> memref<32x128xi32, #tpu.memory_space<hbm>>
        tpu.wait_dma2 semaphore(%run_scoped3A : memref<!tpu.dma_semaphore, #tpu.memory_space<semaphore_mem>>) src(%dma_wait3A_41 : memref<32x128xi32, #tpu.memory_space<hbm>>) dst(%arg7 : memref<32x128xi32, #tpu.memory_space<vmem>>)
        tpu.yield
      }) : () -> ()
      %mul3A_23 = arith.constant 32 : i32
      %mul3A_24 = arith.muli %scan3A_14, %mul3A_23 : i32
      "tpu.region"() ({
        %run_scoped3A = tpu.sem_alloc : memref<!tpu.dma_semaphore, #tpu.memory_space<semaphore_mem>>
        %dma_start3A = arith.constant 0 : i32
        %dma_start3A_32 = tpu.memref_slice %arg4[%arg1, %mul3A_24, %dma_start3A] : memref<16x160x128xi32, #tpu.memory_space<hbm>> -> memref<1x32x128xi32, #tpu.memory_space<hbm>>
        %dma_start3A_33 = tpu.memref_squeeze %dma_start3A_32 : memref<1x32x128xi32, #tpu.memory_space<hbm>> -> memref<32x128xi32, #tpu.memory_space<hbm>>
        %dma_start3A_34 = arith.constant 0 : i32
        %dma_start3A_35 = tpu.memref_slice %arg4[%arg1, %mul3A_24, %dma_start3A_34] : memref<16x160x128xi32, #tpu.memory_space<hbm>> -> memref<1x32x128xi32, #tpu.memory_space<hbm>>
        %dma_start3A_36 = tpu.memref_squeeze %dma_start3A_35 : memref<1x32x128xi32, #tpu.memory_space<hbm>> -> memref<32x128xi32, #tpu.memory_space<hbm>>
        tpu.enqueue_dma source(%dma_start3A_36 : memref<32x128xi32, #tpu.memory_space<hbm>>) target(%arg8 : memref<32x128xi32, #tpu.memory_space<vmem>>) target_semaphore(%run_scoped3A : memref<!tpu.dma_semaphore, #tpu.memory_space<semaphore_mem>>)
        %dma_wait3A = arith.constant 0 : i32
        %dma_wait3A_37 = tpu.memref_slice %arg4[%arg1, %mul3A_24, %dma_wait3A] : memref<16x160x128xi32, #tpu.memory_space<hbm>> -> memref<1x32x128xi32, #tpu.memory_space<hbm>>
        %dma_wait3A_38 = tpu.memref_squeeze %dma_wait3A_37 : memref<1x32x128xi32, #tpu.memory_space<hbm>> -> memref<32x128xi32, #tpu.memory_space<hbm>>
        %dma_wait3A_39 = arith.constant 0 : i32
        %dma_wait3A_40 = tpu.memref_slice %arg4[%arg1, %mul3A_24, %dma_wait3A_39] : memref<16x160x128xi32, #tpu.memory_space<hbm>> -> memref<1x32x128xi32, #tpu.memory_space<hbm>>
        %dma_wait3A_41 = tpu.memref_squeeze %dma_wait3A_40 : memref<1x32x128xi32, #tpu.memory_space<hbm>> -> memref<32x128xi32, #tpu.memory_space<hbm>>
        tpu.wait_dma2 semaphore(%run_scoped3A : memref<!tpu.dma_semaphore, #tpu.memory_space<semaphore_mem>>) src(%dma_wait3A_41 : memref<32x128xi32, #tpu.memory_space<hbm>>) dst(%arg8 : memref<32x128xi32, #tpu.memory_space<vmem>>)
        tpu.yield
      }) : () -> ()
      %scan3A_25 = arith.constant 0 : i32
      %scan3A_26 = arith.constant 0 : i32
      %scan3A_27 = arith.constant 16 : i32
      %scan3A_28 = arith.addi %scan3A_26, %scan3A_27 : i32
      %scan3A_29 = arith.constant 1 : i32
      %scan3A_30 = scf.for %scan3A_32 = %scan3A_26 to %scan3A_28 step %scan3A_29 iter_args(%scan3A_33 = %scan3A_25) -> (i32)  : i32 {
        %mul3A_34 = arith.constant 2 : i32
        %mul3A_35 = arith.muli %mul3A_34, %scan3A_32 : i32
        %eq3A_36 = arith.constant 1 : i32
        %eq3A_37 = arith.cmpi eq, %scan3A_33, %eq3A_36 : i32
        %convert_element_type3A_38 = arith.extui %eq3A_37 : i1 to i32
        %cond3A_39 = arith.constant 0 : i32
        %cond3A_40 = arith.cmpi ne, %convert_element_type3A_38, %cond3A_39 : i32
        scf.if %cond3A_40 {
          %dma_wait3A_79 = arith.constant 0 : i32
          %dma_wait3A_80 = arith.constant 0 : i32
          %dma_wait3A_81 = tpu.memref_slice %arg8[%dma_wait3A_79, %dma_wait3A_80] : memref<32x128xi32, #tpu.memory_space<vmem>> -> memref<1x128xi32, #tpu.memory_space<vmem>>
          %dma_wait3A_82 = tpu.memref_squeeze %dma_wait3A_81 : memref<1x128xi32, #tpu.memory_space<vmem>> -> memref<128xi32, #tpu.memory_space<vmem>>
          %dma_wait3A_83 = arith.constant 0 : i32
          %dma_wait3A_84 = arith.constant 0 : i32
          %dma_wait3A_85 = tpu.memref_slice %arg11[%dma_wait3A_83, %dma_wait3A_84] : memref<10016x128xf32, #tpu.memory_space<vmem_shared>> -> memref<10016x128xf32, #tpu.memory_space<vmem_shared>>
          tpu.wait_indirect_dma semaphore(%arg14 : memref<!tpu.dma_semaphore, #tpu.memory_space<semaphore_mem>>) src(%arg9 : memref<128x128xf32, #tpu.memory_space<vmem>>) dst(%dma_wait3A_85 : memref<10016x128xf32, #tpu.memory_space<vmem_shared>>)
          %dma_wait3A_86 = arith.constant 0 : i32
          %dma_wait3A_87 = arith.constant 0 : i32
          %dma_wait3A_88 = tpu.memref_slice %arg8[%dma_wait3A_86, %dma_wait3A_87] : memref<32x128xi32, #tpu.memory_space<vmem>> -> memref<1x128xi32, #tpu.memory_space<vmem>>
          %dma_wait3A_89 = tpu.memref_squeeze %dma_wait3A_88 : memref<1x128xi32, #tpu.memory_space<vmem>> -> memref<128xi32, #tpu.memory_space<vmem>>
          %dma_wait3A_90 = arith.constant 0 : i32
          %dma_wait3A_91 = arith.constant 0 : i32
          %dma_wait3A_92 = tpu.memref_slice %arg11[%dma_wait3A_90, %dma_wait3A_91] : memref<10016x128xf32, #tpu.memory_space<vmem_shared>> -> memref<10016x128xf32, #tpu.memory_space<vmem_shared>>
          tpu.wait_indirect_dma semaphore(%arg15 : memref<!tpu.dma_semaphore, #tpu.memory_space<semaphore_mem>>) src(%arg10 : memref<128x128xf32, #tpu.memory_space<vmem>>) dst(%dma_wait3A_92 : memref<10016x128xf32, #tpu.memory_space<vmem_shared>>)
        } else {
        }
        %dma_start3A = arith.constant 0 : i32
        %dma_start3A_41 = tpu.memref_slice %arg7[%mul3A_35, %dma_start3A] : memref<32x128xi32, #tpu.memory_space<vmem>> -> memref<1x128xi32, #tpu.memory_space<vmem>>
        %dma_start3A_42 = tpu.memref_squeeze %dma_start3A_41 : memref<1x128xi32, #tpu.memory_space<vmem>> -> memref<128xi32, #tpu.memory_space<vmem>>
        %dma_start3A_43 = arith.constant 0 : i32
        %dma_start3A_44 = arith.constant 0 : i32
        %dma_start3A_45 = tpu.memref_slice %arg2[%dma_start3A_43, %dma_start3A_44] : memref<20000x128xf32, #tpu.memory_space<hbm>> -> memref<20000x128xf32, #tpu.memory_space<hbm>>
        tpu.enqueue_indirect_dma source(%dma_start3A_45 : memref<20000x128xf32, #tpu.memory_space<hbm>>) target(%arg9 : memref<128x128xf32, #tpu.memory_space<vmem>>) offsets(%dma_start3A_42 : memref<128xi32, #tpu.memory_space<vmem>>) semaphore(%arg12 : memref<!tpu.dma_semaphore, #tpu.memory_space<semaphore_mem>>)
        %add3A = arith.constant 1 : i32
        %add3A_46 = arith.addi %mul3A_35, %add3A : i32
        %dma_start3A_47 = arith.constant 0 : i32
        %dma_start3A_48 = tpu.memref_slice %arg7[%add3A_46, %dma_start3A_47] : memref<32x128xi32, #tpu.memory_space<vmem>> -> memref<1x128xi32, #tpu.memory_space<vmem>>
        %dma_start3A_49 = tpu.memref_squeeze %dma_start3A_48 : memref<1x128xi32, #tpu.memory_space<vmem>> -> memref<128xi32, #tpu.memory_space<vmem>>
        %dma_start3A_50 = arith.constant 0 : i32
        %dma_start3A_51 = arith.constant 0 : i32
        %dma_start3A_52 = tpu.memref_slice %arg2[%dma_start3A_50, %dma_start3A_51] : memref<20000x128xf32, #tpu.memory_space<hbm>> -> memref<20000x128xf32, #tpu.memory_space<hbm>>
        tpu.enqueue_indirect_dma source(%dma_start3A_52 : memref<20000x128xf32, #tpu.memory_space<hbm>>) target(%arg10 : memref<128x128xf32, #tpu.memory_space<vmem>>) offsets(%dma_start3A_49 : memref<128xi32, #tpu.memory_space<vmem>>) semaphore(%arg13 : memref<!tpu.dma_semaphore, #tpu.memory_space<semaphore_mem>>)
        %dma_wait3A = arith.constant 0 : i32
        %dma_wait3A_53 = tpu.memref_slice %arg7[%mul3A_35, %dma_wait3A] : memref<32x128xi32, #tpu.memory_space<vmem>> -> memref<1x128xi32, #tpu.memory_space<vmem>>
        %dma_wait3A_54 = tpu.memref_squeeze %dma_wait3A_53 : memref<1x128xi32, #tpu.memory_space<vmem>> -> memref<128xi32, #tpu.memory_space<vmem>>
        %dma_wait3A_55 = arith.constant 0 : i32
        %dma_wait3A_56 = arith.constant 0 : i32
        %dma_wait3A_57 = tpu.memref_slice %arg2[%dma_wait3A_55, %dma_wait3A_56] : memref<20000x128xf32, #tpu.memory_space<hbm>> -> memref<20000x128xf32, #tpu.memory_space<hbm>>
        tpu.wait_indirect_dma semaphore(%arg12 : memref<!tpu.dma_semaphore, #tpu.memory_space<semaphore_mem>>) src(%dma_wait3A_57 : memref<20000x128xf32, #tpu.memory_space<hbm>>) dst(%arg9 : memref<128x128xf32, #tpu.memory_space<vmem>>)
        %dma_start3A_58 = arith.constant 0 : i32
        %dma_start3A_59 = tpu.memref_slice %arg8[%mul3A_35, %dma_start3A_58] : memref<32x128xi32, #tpu.memory_space<vmem>> -> memref<1x128xi32, #tpu.memory_space<vmem>>
        %dma_start3A_60 = tpu.memref_squeeze %dma_start3A_59 : memref<1x128xi32, #tpu.memory_space<vmem>> -> memref<128xi32, #tpu.memory_space<vmem>>
        %dma_start3A_61 = arith.constant 0 : i32
        %dma_start3A_62 = arith.constant 0 : i32
        %dma_start3A_63 = tpu.memref_slice %arg11[%dma_start3A_61, %dma_start3A_62] : memref<10016x128xf32, #tpu.memory_space<vmem_shared>> -> memref<10016x128xf32, #tpu.memory_space<vmem_shared>>
        tpu.enqueue_indirect_dma source(%arg9 : memref<128x128xf32, #tpu.memory_space<vmem>>) target(%dma_start3A_63 : memref<10016x128xf32, #tpu.memory_space<vmem_shared>>) offsets(%dma_start3A_60 : memref<128xi32, #tpu.memory_space<vmem>>) semaphore(%arg14 : memref<!tpu.dma_semaphore, #tpu.memory_space<semaphore_mem>>) {add = true}
        %dma_wait3A_64 = arith.constant 0 : i32
        %dma_wait3A_65 = tpu.memref_slice %arg7[%add3A_46, %dma_wait3A_64] : memref<32x128xi32, #tpu.memory_space<vmem>> -> memref<1x128xi32, #tpu.memory_space<vmem>>
        %dma_wait3A_66 = tpu.memref_squeeze %dma_wait3A_65 : memref<1x128xi32, #tpu.memory_space<vmem>> -> memref<128xi32, #tpu.memory_space<vmem>>
        %dma_wait3A_67 = arith.constant 0 : i32
        %dma_wait3A_68 = arith.constant 0 : i32
        %dma_wait3A_69 = tpu.memref_slice %arg2[%dma_wait3A_67, %dma_wait3A_68] : memref<20000x128xf32, #tpu.memory_space<hbm>> -> memref<20000x128xf32, #tpu.memory_space<hbm>>
        tpu.wait_indirect_dma semaphore(%arg13 : memref<!tpu.dma_semaphore, #tpu.memory_space<semaphore_mem>>) src(%dma_wait3A_69 : memref<20000x128xf32, #tpu.memory_space<hbm>>) dst(%arg10 : memref<128x128xf32, #tpu.memory_space<vmem>>)
        %add3A_70 = arith.constant 1 : i32
        %add3A_71 = arith.addi %mul3A_35, %add3A_70 : i32
        %dma_start3A_72 = arith.constant 0 : i32
        %dma_start3A_73 = tpu.memref_slice %arg8[%add3A_71, %dma_start3A_72] : memref<32x128xi32, #tpu.memory_space<vmem>> -> memref<1x128xi32, #tpu.memory_space<vmem>>
        %dma_start3A_74 = tpu.memref_squeeze %dma_start3A_73 : memref<1x128xi32, #tpu.memory_space<vmem>> -> memref<128xi32, #tpu.memory_space<vmem>>
        %dma_start3A_75 = arith.constant 0 : i32
        %dma_start3A_76 = arith.constant 0 : i32
        %dma_start3A_77 = tpu.memref_slice %arg11[%dma_start3A_75, %dma_start3A_76] : memref<10016x128xf32, #tpu.memory_space<vmem_shared>> -> memref<10016x128xf32, #tpu.memory_space<vmem_shared>>
        tpu.enqueue_indirect_dma source(%arg10 : memref<128x128xf32, #tpu.memory_space<vmem>>) target(%dma_start3A_77 : memref<10016x128xf32, #tpu.memory_space<vmem_shared>>) offsets(%dma_start3A_74 : memref<128xi32, #tpu.memory_space<vmem>>) semaphore(%arg15 : memref<!tpu.dma_semaphore, #tpu.memory_space<semaphore_mem>>) {add = true}
        %scan3A_78 = arith.constant 1 : i32
        scf.yield %scan3A_78 : i32
      }
      %scan3A_31 = arith.constant 16 : i32
      scf.yield %scan3A_30 : i32
    }
    %scan3A_6 = arith.constant 5 : i32
    %eq3A = arith.constant 1 : i32
    %eq3A_7 = arith.cmpi eq, %scan3A_5, %eq3A : i32
    %convert_element_type3A = arith.extui %eq3A_7 : i1 to i32
    %cond3A = arith.constant 0 : i32
    %cond3A_8 = arith.cmpi ne, %convert_element_type3A, %cond3A : i32
    scf.if %cond3A_8 {
      %dma_wait3A = arith.constant 0 : i32
      %dma_wait3A_14 = arith.constant 0 : i32
      %dma_wait3A_15 = tpu.memref_slice %arg8[%dma_wait3A, %dma_wait3A_14] : memref<32x128xi32, #tpu.memory_space<vmem>> -> memref<1x128xi32, #tpu.memory_space<vmem>>
      %dma_wait3A_16 = tpu.memref_squeeze %dma_wait3A_15 : memref<1x128xi32, #tpu.memory_space<vmem>> -> memref<128xi32, #tpu.memory_space<vmem>>
      %dma_wait3A_17 = arith.constant 0 : i32
      %dma_wait3A_18 = arith.constant 0 : i32
      %dma_wait3A_19 = tpu.memref_slice %arg11[%dma_wait3A_17, %dma_wait3A_18] : memref<10016x128xf32, #tpu.memory_space<vmem_shared>> -> memref<10016x128xf32, #tpu.memory_space<vmem_shared>>
      tpu.wait_indirect_dma semaphore(%arg14 : memref<!tpu.dma_semaphore, #tpu.memory_space<semaphore_mem>>) src(%arg9 : memref<128x128xf32, #tpu.memory_space<vmem>>) dst(%dma_wait3A_19 : memref<10016x128xf32, #tpu.memory_space<vmem_shared>>)
      %dma_wait3A_20 = arith.constant 0 : i32
      %dma_wait3A_21 = arith.constant 0 : i32
      %dma_wait3A_22 = tpu.memref_slice %arg8[%dma_wait3A_20, %dma_wait3A_21] : memref<32x128xi32, #tpu.memory_space<vmem>> -> memref<1x128xi32, #tpu.memory_space<vmem>>
      %dma_wait3A_23 = tpu.memref_squeeze %dma_wait3A_22 : memref<1x128xi32, #tpu.memory_space<vmem>> -> memref<128xi32, #tpu.memory_space<vmem>>
      %dma_wait3A_24 = arith.constant 0 : i32
      %dma_wait3A_25 = arith.constant 0 : i32
      %dma_wait3A_26 = tpu.memref_slice %arg11[%dma_wait3A_24, %dma_wait3A_25] : memref<10016x128xf32, #tpu.memory_space<vmem_shared>> -> memref<10016x128xf32, #tpu.memory_space<vmem_shared>>
      tpu.wait_indirect_dma semaphore(%arg15 : memref<!tpu.dma_semaphore, #tpu.memory_space<semaphore_mem>>) src(%arg10 : memref<128x128xf32, #tpu.memory_space<vmem>>) dst(%dma_wait3A_26 : memref<10016x128xf32, #tpu.memory_space<vmem_shared>>)
    } else {
    }
    %barrier3A_9 = arith.constant 0 : index
    tpu.barrier barrier_id(%barrier3A_9)
    %mul3A_10 = arith.constant 625 : i32
    %mul3A_11 = arith.muli %arg1, %mul3A_10 : i32
    %mul3A_12 = arith.constant 625 : i32
    %mul3A_13 = arith.muli %arg1, %mul3A_12 : i32
    "tpu.region"() ({
      %run_scoped3A = tpu.sem_alloc : memref<!tpu.dma_semaphore, #tpu.memory_space<semaphore_mem>>
      %dma_start3A = arith.constant 0 : i32
      %dma_start3A_14 = tpu.memref_slice %arg6[%mul3A_13, %arg0, %dma_start3A] : memref<10000x2x128xf32, #tpu.memory_space<hbm>> -> memref<625x1x128xf32, #tpu.memory_space<hbm>>
      %dma_start3A_15 = tpu.memref_squeeze %dma_start3A_14 : memref<625x1x128xf32, #tpu.memory_space<hbm>> -> memref<625x128xf32, #tpu.memory_space<hbm>>
      %dma_start3A_16 = arith.constant 0 : i32
      %dma_start3A_17 = tpu.memref_slice %arg11[%mul3A_11, %dma_start3A_16] : memref<10016x128xf32, #tpu.memory_space<vmem_shared>> -> memref<625x128xf32, #tpu.memory_space<vmem_shared>>
      tpu.enqueue_dma source(%dma_start3A_17 : memref<625x128xf32, #tpu.memory_space<vmem_shared>>) target(%dma_start3A_15 : memref<625x128xf32, #tpu.memory_space<hbm>>) target_semaphore(%run_scoped3A : memref<!tpu.dma_semaphore, #tpu.memory_space<semaphore_mem>>)
      %dma_wait3A = arith.constant 0 : i32
      %dma_wait3A_18 = tpu.memref_slice %arg6[%mul3A_13, %arg0, %dma_wait3A] : memref<10000x2x128xf32, #tpu.memory_space<hbm>> -> memref<625x1x128xf32, #tpu.memory_space<hbm>>
      %dma_wait3A_19 = tpu.memref_squeeze %dma_wait3A_18 : memref<625x1x128xf32, #tpu.memory_space<hbm>> -> memref<625x128xf32, #tpu.memory_space<hbm>>
      %dma_wait3A_20 = arith.constant 0 : i32
      %dma_wait3A_21 = tpu.memref_slice %arg11[%mul3A_11, %dma_wait3A_20] : memref<10016x128xf32, #tpu.memory_space<vmem_shared>> -> memref<625x128xf32, #tpu.memory_space<vmem_shared>>
      tpu.wait_dma2 semaphore(%run_scoped3A : memref<!tpu.dma_semaphore, #tpu.memory_space<semaphore_mem>>) src(%dma_wait3A_21 : memref<625x128xf32, #tpu.memory_space<vmem_shared>>) dst(%dma_wait3A_19 : memref<625x128xf32, #tpu.memory_space<hbm>>)
      tpu.yield
    }) : () -> ()
    return
  }
}

module attributes {stable_mosaic.version = 14 : i64} {
  func.func @_mlp1_body(%arg0: i32, %arg1: memref<2000x128xf32, #tpu.memory_space<vmem>>, %arg2: memref<2000x2x128xf32, #tpu.memory_space<vmem>>, %arg3: memref<128x256xf32, #tpu.memory_space<vmem>>, %arg4: memref<1x256xf32, #tpu.memory_space<vmem>>, %arg5: memref<256x256xf32, #tpu.memory_space<vmem>>, %arg6: memref<1x256xf32, #tpu.memory_space<vmem>>, %arg7: memref<2000x256xf32, #tpu.memory_space<vmem>>) attributes {dimension_semantics = [#tpu.dimension_semantics<arbitrary>], iteration_bounds = array<i64: 5>, scalar_prefetch = 0 : i64, scratch_operands = 0 : i64, tpu.core_type = #tpu.core_type<tc>, window_params = [{transform_indices = @transform_0, window_bounds = array<i64: 2000, 128>}, {transform_indices = @transform_1, window_bounds = array<i64: 2000, 2, 128>}, {pipeline_mode = #tpu.pipeline_mode<synchronous>, transform_indices = @transform_2, window_bounds = array<i64: 128, 256>}, {pipeline_mode = #tpu.pipeline_mode<synchronous>, transform_indices = @transform_3, window_bounds = array<i64: 1, 256>}, {pipeline_mode = #tpu.pipeline_mode<synchronous>, transform_indices = @transform_4, window_bounds = array<i64: 256, 256>}, {pipeline_mode = #tpu.pipeline_mode<synchronous>, transform_indices = @transform_5, window_bounds = array<i64: 1, 256>}, {transform_indices = @transform_6, window_bounds = array<i64: 2000, 256>}]} {
    %get3A = arith.constant 0 : index
    %get3A_0 = arith.constant 0 : index
    %get3A_1 = vector.load %arg1[%get3A, %get3A_0] : memref<2000x128xf32, #tpu.memory_space<vmem>>, vector<2000x128xf32>
    %get3A_2 = arith.constant 0 : index
    %get3A_3 = arith.constant 0 : index
    %get3A_4 = arith.constant 0 : index
    %get3A_5 = vector.load %arg2[%get3A_2, %get3A_3, %get3A_4] : memref<2000x2x128xf32, #tpu.memory_space<vmem>>, vector<2000x2x128xf32>
    %slice3A = vector.extract_strided_slice %get3A_5 {offsets = [0, 0, 0], sizes = [2000, 1, 128], strides = [1, 1, 1]} : vector<2000x2x128xf32> to vector<2000x1x128xf32>
    %squeeze3A = vector.shape_cast %slice3A : vector<2000x1x128xf32> to vector<2000x128xf32>
    %add3A = arith.addf %get3A_1, %squeeze3A : vector<2000x128xf32>
    %get3A_6 = arith.constant 0 : index
    %get3A_7 = arith.constant 0 : index
    %get3A_8 = arith.constant 0 : index
    %get3A_9 = vector.load %arg2[%get3A_6, %get3A_7, %get3A_8] : memref<2000x2x128xf32, #tpu.memory_space<vmem>>, vector<2000x2x128xf32>
    %slice3A_10 = vector.extract_strided_slice %get3A_9 {offsets = [0, 1, 0], sizes = [2000, 1, 128], strides = [1, 1, 1]} : vector<2000x2x128xf32> to vector<2000x1x128xf32>
    %squeeze3A_11 = vector.shape_cast %slice3A_10 : vector<2000x1x128xf32> to vector<2000x128xf32>
    %add3A_12 = arith.addf %add3A, %squeeze3A_11 : vector<2000x128xf32>
    %get3A_13 = arith.constant 0 : index
    %get3A_14 = arith.constant 0 : index
    %get3A_15 = vector.load %arg3[%get3A_13, %get3A_14] : memref<128x256xf32, #tpu.memory_space<vmem>>, vector<128x256xf32>
    %dot_general3A = arith.constant dense<0.000000e+00> : vector<2000x256xf32>
    %dot_general3A_16 = tpu.matmul %add3A_12, %get3A_15, %dot_general3A {dimension_numbers = #tpu.dot_dimension_numbers<[1], [0], [0], [1], [0, 0, 1, 1], [], []>, transpose_lhs_hint = false} : vector<2000x128xf32>, vector<128x256xf32>, vector<2000x256xf32> -> vector<2000x256xf32>
    %get3A_17 = arith.constant 0 : index
    %get3A_18 = arith.constant 0 : index
    %get3A_19 = vector.load %arg4[%get3A_17, %get3A_18] : memref<1x256xf32, #tpu.memory_space<vmem>>, vector<1x256xf32>
    %add3A_20 = vector.broadcast %get3A_19 : vector<1x256xf32> to vector<2000x256xf32>
    %add3A_21 = arith.addf %dot_general3A_16, %add3A_20 : vector<2000x256xf32>
    %max3A = arith.constant 0.000000e+00 : f32
    %max3A_22 = vector.broadcast %max3A : f32 to vector<2000x256xf32>
    %max3A_23 = arith.maximumf %add3A_21, %max3A_22 : vector<2000x256xf32>
    %get3A_24 = arith.constant 0 : index
    %get3A_25 = arith.constant 0 : index
    %get3A_26 = vector.load %arg5[%get3A_24, %get3A_25] : memref<256x256xf32, #tpu.memory_space<vmem>>, vector<256x256xf32>
    %dot_general3A_27 = arith.constant dense<0.000000e+00> : vector<2000x256xf32>
    %dot_general3A_28 = tpu.matmul %max3A_23, %get3A_26, %dot_general3A_27 {dimension_numbers = #tpu.dot_dimension_numbers<[1], [0], [0], [1], [0, 0, 1, 1], [], []>, transpose_lhs_hint = false} : vector<2000x256xf32>, vector<256x256xf32>, vector<2000x256xf32> -> vector<2000x256xf32>
    %get3A_29 = arith.constant 0 : index
    %get3A_30 = arith.constant 0 : index
    %get3A_31 = vector.load %arg6[%get3A_29, %get3A_30] : memref<1x256xf32, #tpu.memory_space<vmem>>, vector<1x256xf32>
    %add3A_32 = vector.broadcast %get3A_31 : vector<1x256xf32> to vector<2000x256xf32>
    %add3A_33 = arith.addf %dot_general3A_28, %add3A_32 : vector<2000x256xf32>
    %max3A_34 = arith.constant 0.000000e+00 : f32
    %max3A_35 = vector.broadcast %max3A_34 : f32 to vector<2000x256xf32>
    %max3A_36 = arith.maximumf %add3A_33, %max3A_35 : vector<2000x256xf32>
    %swap3A = arith.constant 0 : index
    %swap3A_37 = arith.constant 0 : index
    %swap3A_38 = vector.load %arg7[%swap3A, %swap3A_37] : memref<2000x256xf32, #tpu.memory_space<vmem>>, vector<2000x256xf32>
    tpu.vector_store %arg7[%swap3A, %swap3A_37], %max3A_36 {strides = array<i32>} : memref<2000x256xf32, #tpu.memory_space<vmem>>, vector<2000x256xf32>,
    return
  }
  func.func @transform_0(%arg0: i32) -> (i32, i32) {
    %c0_i32 = arith.constant 0 : i32
    %c0_i32_0 = arith.constant 0 : i32
    return %arg0, %c0_i32 : i32, i32
  }
  func.func @transform_1(%arg0: i32) -> (i32, i32, i32) {
    %c0_i32 = arith.constant 0 : i32
    %c0_i32_0 = arith.constant 0 : i32
    %c0_i32_1 = arith.constant 0 : i32
    return %arg0, %c0_i32, %c0_i32_0 : i32, i32, i32
  }
  func.func @transform_2(%arg0: i32) -> (i32, i32) {
    %c0_i32 = arith.constant 0 : i32
    %c0_i32_0 = arith.constant 0 : i32
    %c0_i32_1 = arith.constant 0 : i32
    return %c0_i32, %c0_i32_0 : i32, i32
  }
  func.func @transform_3(%arg0: i32) -> (i32, i32) {
    %c0_i32 = arith.constant 0 : i32
    %c0_i32_0 = arith.constant 0 : i32
    %c0_i32_1 = arith.constant 0 : i32
    return %c0_i32, %c0_i32_0 : i32, i32
  }
  func.func @transform_4(%arg0: i32) -> (i32, i32) {
    %c0_i32 = arith.constant 0 : i32
    %c0_i32_0 = arith.constant 0 : i32
    %c0_i32_1 = arith.constant 0 : i32
    return %c0_i32, %c0_i32_0 : i32, i32
  }
  func.func @transform_5(%arg0: i32) -> (i32, i32) {
    %c0_i32 = arith.constant 0 : i32
    %c0_i32_0 = arith.constant 0 : i32
    %c0_i32_1 = arith.constant 0 : i32
    return %c0_i32, %c0_i32_0 : i32, i32
  }
  func.func @transform_6(%arg0: i32) -> (i32, i32) {
    %c0_i32 = arith.constant 0 : i32
    %c0_i32_0 = arith.constant 0 : i32
    return %arg0, %c0_i32 : i32, i32
  }
}

module attributes {stable_mosaic.version = 14 : i64} {
  func.func @_mlp2_body(%arg0: i32, %arg1: memref<2000x256xf32, #tpu.memory_space<vmem>>, %arg2: memref<2000x2x128xf32, #tpu.memory_space<vmem>>, %arg3: memref<256x256xf32, #tpu.memory_space<vmem>>, %arg4: memref<1x256xf32, #tpu.memory_space<vmem>>, %arg5: memref<256x256xf32, #tpu.memory_space<vmem>>, %arg6: memref<1x256xf32, #tpu.memory_space<vmem>>, %arg7: memref<2000x256xf32, #tpu.memory_space<vmem>>) attributes {dimension_semantics = [#tpu.dimension_semantics<arbitrary>], iteration_bounds = array<i64: 5>, scalar_prefetch = 0 : i64, scratch_operands = 0 : i64, tpu.core_type = #tpu.core_type<tc>, window_params = [{transform_indices = @transform_0, window_bounds = array<i64: 2000, 256>}, {transform_indices = @transform_1, window_bounds = array<i64: 2000, 2, 128>}, {pipeline_mode = #tpu.pipeline_mode<synchronous>, transform_indices = @transform_2, window_bounds = array<i64: 256, 256>}, {pipeline_mode = #tpu.pipeline_mode<synchronous>, transform_indices = @transform_3, window_bounds = array<i64: 1, 256>}, {pipeline_mode = #tpu.pipeline_mode<synchronous>, transform_indices = @transform_4, window_bounds = array<i64: 256, 256>}, {pipeline_mode = #tpu.pipeline_mode<synchronous>, transform_indices = @transform_5, window_bounds = array<i64: 1, 256>}, {transform_indices = @transform_6, window_bounds = array<i64: 2000, 256>}]} {
    %get3A = arith.constant 0 : index
    %get3A_0 = arith.constant 0 : index
    %get3A_1 = vector.load %arg1[%get3A, %get3A_0] : memref<2000x256xf32, #tpu.memory_space<vmem>>, vector<2000x256xf32>
    %get3A_2 = arith.constant 0 : index
    %get3A_3 = arith.constant 0 : index
    %get3A_4 = arith.constant 0 : index
    %get3A_5 = vector.load %arg2[%get3A_2, %get3A_3, %get3A_4] : memref<2000x2x128xf32, #tpu.memory_space<vmem>>, vector<2000x2x128xf32>
    %reshape3A = vector.shape_cast %get3A_5 : vector<2000x2x128xf32> to vector<2000x256xf32>
    %add3A = arith.addf %get3A_1, %reshape3A : vector<2000x256xf32>
    %get3A_6 = arith.constant 0 : index
    %get3A_7 = arith.constant 0 : index
    %get3A_8 = vector.load %arg3[%get3A_6, %get3A_7] : memref<256x256xf32, #tpu.memory_space<vmem>>, vector<256x256xf32>
    %dot_general3A = arith.constant dense<0.000000e+00> : vector<2000x256xf32>
    %dot_general3A_9 = tpu.matmul %add3A, %get3A_8, %dot_general3A {dimension_numbers = #tpu.dot_dimension_numbers<[1], [0], [0], [1], [0, 0, 1, 1], [], []>, transpose_lhs_hint = false} : vector<2000x256xf32>, vector<256x256xf32>, vector<2000x256xf32> -> vector<2000x256xf32>
    %get3A_10 = arith.constant 0 : index
    %get3A_11 = arith.constant 0 : index
    %get3A_12 = vector.load %arg4[%get3A_10, %get3A_11] : memref<1x256xf32, #tpu.memory_space<vmem>>, vector<1x256xf32>
    %add3A_13 = vector.broadcast %get3A_12 : vector<1x256xf32> to vector<2000x256xf32>
    %add3A_14 = arith.addf %dot_general3A_9, %add3A_13 : vector<2000x256xf32>
    %max3A = arith.constant 0.000000e+00 : f32
    %max3A_15 = vector.broadcast %max3A : f32 to vector<2000x256xf32>
    %max3A_16 = arith.maximumf %add3A_14, %max3A_15 : vector<2000x256xf32>
    %get3A_17 = arith.constant 0 : index
    %get3A_18 = arith.constant 0 : index
    %get3A_19 = vector.load %arg5[%get3A_17, %get3A_18] : memref<256x256xf32, #tpu.memory_space<vmem>>, vector<256x256xf32>
    %dot_general3A_20 = arith.constant dense<0.000000e+00> : vector<2000x256xf32>
    %dot_general3A_21 = tpu.matmul %max3A_16, %get3A_19, %dot_general3A_20 {dimension_numbers = #tpu.dot_dimension_numbers<[1], [0], [0], [1], [0, 0, 1, 1], [], []>, transpose_lhs_hint = false} : vector<2000x256xf32>, vector<256x256xf32>, vector<2000x256xf32> -> vector<2000x256xf32>
    %get3A_22 = arith.constant 0 : index
    %get3A_23 = arith.constant 0 : index
    %get3A_24 = vector.load %arg6[%get3A_22, %get3A_23] : memref<1x256xf32, #tpu.memory_space<vmem>>, vector<1x256xf32>
    %add3A_25 = vector.broadcast %get3A_24 : vector<1x256xf32> to vector<2000x256xf32>
    %add3A_26 = arith.addf %dot_general3A_21, %add3A_25 : vector<2000x256xf32>
    %max3A_27 = arith.constant 0.000000e+00 : f32
    %max3A_28 = vector.broadcast %max3A_27 : f32 to vector<2000x256xf32>
    %max3A_29 = arith.maximumf %add3A_26, %max3A_28 : vector<2000x256xf32>
    %swap3A = arith.constant 0 : index
    %swap3A_30 = arith.constant 0 : index
    %swap3A_31 = vector.load %arg7[%swap3A, %swap3A_30] : memref<2000x256xf32, #tpu.memory_space<vmem>>, vector<2000x256xf32>
    tpu.vector_store %arg7[%swap3A, %swap3A_30], %max3A_29 {strides = array<i32>} : memref<2000x256xf32, #tpu.memory_space<vmem>>, vector<2000x256xf32>,
    return
  }
  func.func @transform_0(%arg0: i32) -> (i32, i32) {
    %c0_i32 = arith.constant 0 : i32
    %c0_i32_0 = arith.constant 0 : i32
    return %arg0, %c0_i32 : i32, i32
  }
  func.func @transform_1(%arg0: i32) -> (i32, i32, i32) {
    %c0_i32 = arith.constant 0 : i32
    %c0_i32_0 = arith.constant 0 : i32
    %c0_i32_1 = arith.constant 0 : i32
    return %arg0, %c0_i32, %c0_i32_0 : i32, i32, i32
  }
  func.func @transform_2(%arg0: i32) -> (i32, i32) {
    %c0_i32 = arith.constant 0 : i32
    %c0_i32_0 = arith.constant 0 : i32
    %c0_i32_1 = arith.constant 0 : i32
    return %c0_i32, %c0_i32_0 : i32, i32
  }
  func.func @transform_3(%arg0: i32) -> (i32, i32) {
    %c0_i32 = arith.constant 0 : i32
    %c0_i32_0 = arith.constant 0 : i32
    %c0_i32_1 = arith.constant 0 : i32
    return %c0_i32, %c0_i32_0 : i32, i32
  }
  func.func @transform_4(%arg0: i32) -> (i32, i32) {
    %c0_i32 = arith.constant 0 : i32
    %c0_i32_0 = arith.constant 0 : i32
    %c0_i32_1 = arith.constant 0 : i32
    return %c0_i32, %c0_i32_0 : i32, i32
  }
  func.func @transform_5(%arg0: i32) -> (i32, i32) {
    %c0_i32 = arith.constant 0 : i32
    %c0_i32_0 = arith.constant 0 : i32
    %c0_i32_1 = arith.constant 0 : i32
    return %c0_i32, %c0_i32_0 : i32, i32
  }
  func.func @transform_6(%arg0: i32) -> (i32, i32) {
    %c0_i32 = arith.constant 0 : i32
    %c0_i32_0 = arith.constant 0 : i32
    return %arg0, %c0_i32 : i32, i32
  }
}

module attributes {stable_mosaic.version = 14 : i64} {
  func.func @_mlp3_body(%arg0: i32, %arg1: memref<2000x256xf32, #tpu.memory_space<vmem>>, %arg2: memref<2000x2x128xf32, #tpu.memory_space<vmem>>, %arg3: memref<2000x1xi32, #tpu.memory_space<vmem>>, %arg4: memref<256x256xf32, #tpu.memory_space<vmem>>, %arg5: memref<1x256xf32, #tpu.memory_space<vmem>>, %arg6: memref<256x256xf32, #tpu.memory_space<vmem>>, %arg7: memref<1x256xf32, #tpu.memory_space<vmem>>, %arg8: memref<256x1xf32, #tpu.memory_space<vmem>>, %arg9: memref<1x1xf32, #tpu.memory_space<vmem>>, %arg10: memref<256x1xf32, #tpu.memory_space<vmem>>, %arg11: memref<1x1xf32, #tpu.memory_space<vmem>>, %arg12: memref<64x1xf32, #tpu.memory_space<vmem>>, %arg13: memref<64x1xf32, #tpu.memory_space<vmem>>, %arg14: memref<64x256xf32, #tpu.memory_space<vmem>>, %arg15: memref<64x1xf32, #tpu.memory_space<vmem>>) attributes {dimension_semantics = [#tpu.dimension_semantics<arbitrary>], iteration_bounds = array<i64: 5>, scalar_prefetch = 0 : i64, scratch_operands = 2 : i64, tpu.core_type = #tpu.core_type<tc>, window_params = [{transform_indices = @transform_0, window_bounds = array<i64: 2000, 256>}, {transform_indices = @transform_1, window_bounds = array<i64: 2000, 2, 128>}, {transform_indices = @transform_2, window_bounds = array<i64: 2000, 1>}, {pipeline_mode = #tpu.pipeline_mode<synchronous>, transform_indices = @transform_3, window_bounds = array<i64: 256, 256>}, {pipeline_mode = #tpu.pipeline_mode<synchronous>, transform_indices = @transform_4, window_bounds = array<i64: 1, 256>}, {pipeline_mode = #tpu.pipeline_mode<synchronous>, transform_indices = @transform_5, window_bounds = array<i64: 256, 256>}, {pipeline_mode = #tpu.pipeline_mode<synchronous>, transform_indices = @transform_6, window_bounds = array<i64: 1, 256>}, {pipeline_mode = #tpu.pipeline_mode<synchronous>, transform_indices = @transform_7, window_bounds = array<i64: 256, 1>}, {pipeline_mode = #tpu.pipeline_mode<synchronous>, transform_indices = @transform_8, window_bounds = array<i64: 1, 1>}, {pipeline_mode = #tpu.pipeline_mode<synchronous>, transform_indices = @transform_9, window_bounds = array<i64: 256, 1>}, {pipeline_mode = #tpu.pipeline_mode<synchronous>, transform_indices = @transform_10, window_bounds = array<i64: 1, 1>}, {pipeline_mode = #tpu.pipeline_mode<synchronous>, transform_indices = @transform_11, window_bounds = array<i64: 64, 1>}, {pipeline_mode = #tpu.pipeline_mode<synchronous>, transform_indices = @transform_12, window_bounds = array<i64: 64, 1>}]} {
    %get3A = arith.constant 0 : index
    %get3A_0 = arith.constant 0 : index
    %get3A_1 = vector.load %arg1[%get3A, %get3A_0] : memref<2000x256xf32, #tpu.memory_space<vmem>>, vector<2000x256xf32>
    %get3A_2 = arith.constant 0 : index
    %get3A_3 = arith.constant 0 : index
    %get3A_4 = arith.constant 0 : index
    %get3A_5 = vector.load %arg2[%get3A_2, %get3A_3, %get3A_4] : memref<2000x2x128xf32, #tpu.memory_space<vmem>>, vector<2000x2x128xf32>
    %reshape3A = vector.shape_cast %get3A_5 : vector<2000x2x128xf32> to vector<2000x256xf32>
    %add3A = arith.addf %get3A_1, %reshape3A : vector<2000x256xf32>
    %get3A_6 = arith.constant 0 : index
    %get3A_7 = arith.constant 0 : index
    %get3A_8 = vector.load %arg4[%get3A_6, %get3A_7] : memref<256x256xf32, #tpu.memory_space<vmem>>, vector<256x256xf32>
    %dot_general3A = arith.constant dense<0.000000e+00> : vector<2000x256xf32>
    %dot_general3A_9 = tpu.matmul %add3A, %get3A_8, %dot_general3A {dimension_numbers = #tpu.dot_dimension_numbers<[1], [0], [0], [1], [0, 0, 1, 1], [], []>, transpose_lhs_hint = false} : vector<2000x256xf32>, vector<256x256xf32>, vector<2000x256xf32> -> vector<2000x256xf32>
    %get3A_10 = arith.constant 0 : index
    %get3A_11 = arith.constant 0 : index
    %get3A_12 = vector.load %arg5[%get3A_10, %get3A_11] : memref<1x256xf32, #tpu.memory_space<vmem>>, vector<1x256xf32>
    %add3A_13 = vector.broadcast %get3A_12 : vector<1x256xf32> to vector<2000x256xf32>
    %add3A_14 = arith.addf %dot_general3A_9, %add3A_13 : vector<2000x256xf32>
    %max3A = arith.constant 0.000000e+00 : f32
    %max3A_15 = vector.broadcast %max3A : f32 to vector<2000x256xf32>
    %max3A_16 = arith.maximumf %add3A_14, %max3A_15 : vector<2000x256xf32>
    %get3A_17 = arith.constant 0 : index
    %get3A_18 = arith.constant 0 : index
    %get3A_19 = vector.load %arg6[%get3A_17, %get3A_18] : memref<256x256xf32, #tpu.memory_space<vmem>>, vector<256x256xf32>
    %dot_general3A_20 = arith.constant dense<0.000000e+00> : vector<2000x256xf32>
    %dot_general3A_21 = tpu.matmul %max3A_16, %get3A_19, %dot_general3A_20 {dimension_numbers = #tpu.dot_dimension_numbers<[1], [0], [0], [1], [0, 0, 1, 1], [], []>, transpose_lhs_hint = false} : vector<2000x256xf32>, vector<256x256xf32>, vector<2000x256xf32> -> vector<2000x256xf32>
    %get3A_22 = arith.constant 0 : index
    %get3A_23 = arith.constant 0 : index
    %get3A_24 = vector.load %arg7[%get3A_22, %get3A_23] : memref<1x256xf32, #tpu.memory_space<vmem>>, vector<1x256xf32>
    %add3A_25 = vector.broadcast %get3A_24 : vector<1x256xf32> to vector<2000x256xf32>
    %add3A_26 = arith.addf %dot_general3A_21, %add3A_25 : vector<2000x256xf32>
    %max3A_27 = arith.constant 0.000000e+00 : f32
    %max3A_28 = vector.broadcast %max3A_27 : f32 to vector<2000x256xf32>
    %max3A_29 = arith.maximumf %add3A_26, %max3A_28 : vector<2000x256xf32>
    %get3A_30 = arith.constant 0 : index
    %get3A_31 = arith.constant 0 : index
    %get3A_32 = vector.load %arg3[%get3A_30, %get3A_31] : memref<2000x1xi32, #tpu.memory_space<vmem>>, vector<2000x1xi32>
    %iota3A = tpu.iota {dimensions = array<i32: 1>} : vector<2000x64xi32>
    %eq3A = vector.broadcast %get3A_32 : vector<2000x1xi32> to vector<2000x64xi32>
    %eq3A_33 = arith.cmpi eq, %eq3A, %iota3A : vector<2000x64xi32>
    %convert_element_type3A = arith.extui %eq3A_33 : vector<2000x64xi1> to vector<2000x64xi32>
    %convert_element_type3A_34 = arith.sitofp %convert_element_type3A : vector<2000x64xi32> to vector<2000x64xf32>
    %dot_general3A_35 = arith.constant dense<0.000000e+00> : vector<64x256xf32>
    %dot_general3A_36 = tpu.matmul %convert_element_type3A_34, %max3A_29, %dot_general3A_35 {dimension_numbers = #tpu.dot_dimension_numbers<[0], [0], [1], [1], [0, 1, 1, 1], [], []>, transpose_lhs_hint = false} : vector<2000x64xf32>, vector<2000x256xf32>, vector<64x256xf32> -> vector<64x256xf32>
    %broadcast_in_dim3A = arith.constant 1.000000e+00 : f32
    %broadcast_in_dim3A_37 = vector.broadcast %broadcast_in_dim3A : f32 to vector<2000x1xf32>
    %dot_general3A_38 = arith.constant dense<0.000000e+00> : vector<64x1xf32>
    %dot_general3A_39 = tpu.matmul %convert_element_type3A_34, %broadcast_in_dim3A_37, %dot_general3A_38 {dimension_numbers = #tpu.dot_dimension_numbers<[0], [0], [1], [1], [0, 1, 1, 1], [], []>, transpose_lhs_hint = false} : vector<2000x64xf32>, vector<2000x1xf32>, vector<64x1xf32> -> vector<64x1xf32>
    %eq3A_40 = arith.constant 0 : i32
    %eq3A_41 = arith.cmpi eq, %arg0, %eq3A_40 : i32
    %convert_element_type3A_42 = arith.extui %eq3A_41 : i1 to i32
    %cond3A = arith.constant 0 : i32
    %cond3A_43 = arith.cmpi ne, %convert_element_type3A_42, %cond3A : i32
    scf.if %cond3A_43 {
      %swap3A = arith.constant 0 : index
      %swap3A_53 = arith.constant 0 : index
      %swap3A_54 = vector.load %arg14[%swap3A, %swap3A_53] : memref<64x256xf32, #tpu.memory_space<vmem>>, vector<64x256xf32>
      tpu.vector_store %arg14[%swap3A, %swap3A_53], %dot_general3A_36 {strides = array<i32>} : memref<64x256xf32, #tpu.memory_space<vmem>>, vector<64x256xf32>,
      %swap3A_55 = arith.constant 0 : index
      %swap3A_56 = arith.constant 0 : index
      %swap3A_57 = vector.load %arg15[%swap3A_55, %swap3A_56] : memref<64x1xf32, #tpu.memory_space<vmem>>, vector<64x1xf32>
      tpu.vector_store %arg15[%swap3A_55, %swap3A_56], %dot_general3A_39 {strides = array<i32>} : memref<64x1xf32, #tpu.memory_space<vmem>>, vector<64x1xf32>,
    } else {
    }
    %gt3A = arith.constant 0 : i32
    %gt3A_44 = arith.cmpi sgt, %arg0, %gt3A : i32
    %convert_element_type3A_45 = arith.extui %gt3A_44 : i1 to i32
    %cond3A_46 = arith.constant 0 : i32
    %cond3A_47 = arith.cmpi ne, %convert_element_type3A_45, %cond3A_46 : i32
    scf.if %cond3A_47 {
      %get3A_53 = arith.constant 0 : index
      %get3A_54 = arith.constant 0 : index
      %get3A_55 = vector.load %arg14[%get3A_53, %get3A_54] : memref<64x256xf32, #tpu.memory_space<vmem>>, vector<64x256xf32>
      %add3A_56 = arith.addf %get3A_55, %dot_general3A_36 : vector<64x256xf32>
      %swap3A = arith.constant 0 : index
      %swap3A_57 = arith.constant 0 : index
      %swap3A_58 = vector.load %arg14[%swap3A, %swap3A_57] : memref<64x256xf32, #tpu.memory_space<vmem>>, vector<64x256xf32>
      tpu.vector_store %arg14[%swap3A, %swap3A_57], %add3A_56 {strides = array<i32>} : memref<64x256xf32, #tpu.memory_space<vmem>>, vector<64x256xf32>,
      %get3A_59 = arith.constant 0 : index
      %get3A_60 = arith.constant 0 : index
      %get3A_61 = vector.load %arg15[%get3A_59, %get3A_60] : memref<64x1xf32, #tpu.memory_space<vmem>>, vector<64x1xf32>
      %add3A_62 = arith.addf %get3A_61, %dot_general3A_39 : vector<64x1xf32>
      %swap3A_63 = arith.constant 0 : index
      %swap3A_64 = arith.constant 0 : index
      %swap3A_65 = vector.load %arg15[%swap3A_63, %swap3A_64] : memref<64x1xf32, #tpu.memory_space<vmem>>, vector<64x1xf32>
      tpu.vector_store %arg15[%swap3A_63, %swap3A_64], %add3A_62 {strides = array<i32>} : memref<64x1xf32, #tpu.memory_space<vmem>>, vector<64x1xf32>,
    } else {
    }
    %eq3A_48 = arith.constant 4 : i32
    %eq3A_49 = arith.cmpi eq, %arg0, %eq3A_48 : i32
    %convert_element_type3A_50 = arith.extui %eq3A_49 : i1 to i32
    %cond3A_51 = arith.constant 0 : i32
    %cond3A_52 = arith.cmpi ne, %convert_element_type3A_50, %cond3A_51 : i32
    scf.if %cond3A_52 {
      %get3A_53 = arith.constant 0 : index
      %get3A_54 = arith.constant 0 : index
      %get3A_55 = vector.load %arg14[%get3A_53, %get3A_54] : memref<64x256xf32, #tpu.memory_space<vmem>>, vector<64x256xf32>
      %get3A_56 = arith.constant 0 : index
      %get3A_57 = arith.constant 0 : index
      %get3A_58 = vector.load %arg15[%get3A_56, %get3A_57] : memref<64x1xf32, #tpu.memory_space<vmem>>, vector<64x1xf32>
      %max3A_59 = arith.constant 1.000000e+00 : f32
      %max3A_60 = vector.broadcast %max3A_59 : f32 to vector<64x1xf32>
      %max3A_61 = arith.maximumf %get3A_58, %max3A_60 : vector<64x1xf32>
      %div3A = vector.broadcast %max3A_61 : vector<64x1xf32> to vector<64x256xf32>
      %div3A_62 = arith.divf %get3A_55, %div3A : vector<64x256xf32>
      %get3A_63 = arith.constant 0 : index
      %get3A_64 = arith.constant 0 : index
      %get3A_65 = vector.load %arg8[%get3A_63, %get3A_64] : memref<256x1xf32, #tpu.memory_space<vmem>>, vector<256x1xf32>
      %dot_general3A_66 = arith.constant dense<0.000000e+00> : vector<64x1xf32>
      %dot_general3A_67 = tpu.matmul %div3A_62, %get3A_65, %dot_general3A_66 {dimension_numbers = #tpu.dot_dimension_numbers<[1], [0], [0], [1], [0, 0, 1, 1], [], []>, transpose_lhs_hint = false} : vector<64x256xf32>, vector<256x1xf32>, vector<64x1xf32> -> vector<64x1xf32>
      %get3A_68 = arith.constant 0 : index
      %get3A_69 = arith.constant 0 : index
      %get3A_70 = vector.load %arg9[%get3A_68, %get3A_69] : memref<1x1xf32, #tpu.memory_space<vmem>>, vector<1x1xf32>
      %add3A_71 = vector.broadcast %get3A_70 : vector<1x1xf32> to vector<64x1xf32>
      %add3A_72 = arith.addf %dot_general3A_67, %add3A_71 : vector<64x1xf32>
      %swap3A = arith.constant 0 : index
      %swap3A_73 = arith.constant 0 : index
      %swap3A_74 = vector.load %arg12[%swap3A, %swap3A_73] : memref<64x1xf32, #tpu.memory_space<vmem>>, vector<64x1xf32>
      tpu.vector_store %arg12[%swap3A, %swap3A_73], %add3A_72 {strides = array<i32>} : memref<64x1xf32, #tpu.memory_space<vmem>>, vector<64x1xf32>,
      %get3A_75 = arith.constant 0 : index
      %get3A_76 = arith.constant 0 : index
      %get3A_77 = vector.load %arg10[%get3A_75, %get3A_76] : memref<256x1xf32, #tpu.memory_space<vmem>>, vector<256x1xf32>
      %dot_general3A_78 = arith.constant dense<0.000000e+00> : vector<64x1xf32>
      %dot_general3A_79 = tpu.matmul %div3A_62, %get3A_77, %dot_general3A_78 {dimension_numbers = #tpu.dot_dimension_numbers<[1], [0], [0], [1], [0, 0, 1, 1], [], []>, transpose_lhs_hint = false} : vector<64x256xf32>, vector<256x1xf32>, vector<64x1xf32> -> vector<64x1xf32>
      %get3A_80 = arith.constant 0 : index
      %get3A_81 = arith.constant 0 : index
      %get3A_82 = vector.load %arg11[%get3A_80, %get3A_81] : memref<1x1xf32, #tpu.memory_space<vmem>>, vector<1x1xf32>
      %add3A_83 = vector.broadcast %get3A_82 : vector<1x1xf32> to vector<64x1xf32>
      %add3A_84 = arith.addf %dot_general3A_79, %add3A_83 : vector<64x1xf32>
      %swap3A_85 = arith.constant 0 : index
      %swap3A_86 = arith.constant 0 : index
      %swap3A_87 = vector.load %arg13[%swap3A_85, %swap3A_86] : memref<64x1xf32, #tpu.memory_space<vmem>>, vector<64x1xf32>
      tpu.vector_store %arg13[%swap3A_85, %swap3A_86], %add3A_84 {strides = array<i32>} : memref<64x1xf32, #tpu.memory_space<vmem>>, vector<64x1xf32>,
    } else {
    }
    return
  }
  func.func @transform_0(%arg0: i32) -> (i32, i32) {
    %c0_i32 = arith.constant 0 : i32
    %c0_i32_0 = arith.constant 0 : i32
    return %arg0, %c0_i32 : i32, i32
  }
  func.func @transform_1(%arg0: i32) -> (i32, i32, i32) {
    %c0_i32 = arith.constant 0 : i32
    %c0_i32_0 = arith.constant 0 : i32
    %c0_i32_1 = arith.constant 0 : i32
    return %arg0, %c0_i32, %c0_i32_0 : i32, i32, i32
  }
  func.func @transform_2(%arg0: i32) -> (i32, i32) {
    %c0_i32 = arith.constant 0 : i32
    %c0_i32_0 = arith.constant 0 : i32
    return %arg0, %c0_i32 : i32, i32
  }
  func.func @transform_3(%arg0: i32) -> (i32, i32) {
    %c0_i32 = arith.constant 0 : i32
    %c0_i32_0 = arith.constant 0 : i32
    %c0_i32_1 = arith.constant 0 : i32
    return %c0_i32, %c0_i32_0 : i32, i32
  }
  func.func @transform_4(%arg0: i32) -> (i32, i32) {
    %c0_i32 = arith.constant 0 : i32
    %c0_i32_0 = arith.constant 0 : i32
    %c0_i32_1 = arith.constant 0 : i32
    return %c0_i32, %c0_i32_0 : i32, i32
  }
  func.func @transform_5(%arg0: i32) -> (i32, i32) {
    %c0_i32 = arith.constant 0 : i32
    %c0_i32_0 = arith.constant 0 : i32
    %c0_i32_1 = arith.constant 0 : i32
    return %c0_i32, %c0_i32_0 : i32, i32
  }
  func.func @transform_6(%arg0: i32) -> (i32, i32) {
    %c0_i32 = arith.constant 0 : i32
    %c0_i32_0 = arith.constant 0 : i32
    %c0_i32_1 = arith.constant 0 : i32
    return %c0_i32, %c0_i32_0 : i32, i32
  }
  func.func @transform_7(%arg0: i32) -> (i32, i32) {
    %c0_i32 = arith.constant 0 : i32
    %c0_i32_0 = arith.constant 0 : i32
    %c0_i32_1 = arith.constant 0 : i32
    return %c0_i32, %c0_i32_0 : i32, i32
  }
  func.func @transform_8(%arg0: i32) -> (i32, i32) {
    %c0_i32 = arith.constant 0 : i32
    %c0_i32_0 = arith.constant 0 : i32
    %c0_i32_1 = arith.constant 0 : i32
    return %c0_i32, %c0_i32_0 : i32, i32
  }
  func.func @transform_9(%arg0: i32) -> (i32, i32) {
    %c0_i32 = arith.constant 0 : i32
    %c0_i32_0 = arith.constant 0 : i32
    %c0_i32_1 = arith.constant 0 : i32
    return %c0_i32, %c0_i32_0 : i32, i32
  }
  func.func @transform_10(%arg0: i32) -> (i32, i32) {
    %c0_i32 = arith.constant 0 : i32
    %c0_i32_0 = arith.constant 0 : i32
    %c0_i32_1 = arith.constant 0 : i32
    return %c0_i32, %c0_i32_0 : i32, i32
  }
  func.func @transform_11(%arg0: i32) -> (i32, i32) {
    %c0_i32 = arith.constant 0 : i32
    %c0_i32_0 = arith.constant 0 : i32
    %c0_i32_1 = arith.constant 0 : i32
    return %c0_i32, %c0_i32_0 : i32, i32
  }
  func.func @transform_12(%arg0: i32) -> (i32, i32) {
    %c0_i32 = arith.constant 0 : i32
    %c0_i32_0 = arith.constant 0 : i32
    %c0_i32_1 = arith.constant 0 : i32
    return %c0_i32, %c0_i32_0 : i32, i32
  }
}

</mosaic_0001>

<sc_bundles>
// kernel: kernel.11.cloned.1.call-start
scs
__scs_entry_jumppad:
0x0: {  	(pc) =	sbr.rel $0x88, $3  }
0x1: {  	(tag) =	ssettag $0x0;
	lr =	simm.s32 $0x1  }
0x2: {  	[smem:$0x3F92] =	sst lr;
	_ =	strace $0xD0000000  }
0x3: {  	_ = 	snop  }
0x4: {  	_ = 	snop  }
0x5: {  	_ = 	snop  }
0x6: {  	_ = 	snop  }
0x7: {  	_ = 	snop  }
__scs_overlays_trampoline_lowered:
0x8: {  	[smem:$0x3FA1] =	sst s0  }
0x9: {  	[smem:$0x3FA2] =	sst s1  }
0xa: {  	[smem:$0x3FA3] =	sst s2  }
0xb: {  	[smem:$0x3FA4] =	sst s3  }
0xc: {  	[smem:$0x3FA5] =	sst s4  }
0xd: {  	[smem:$0x3FA6] =	sst s5  }
0xe: {  	[smem:$0x3FA7] =	sst s6  }
0xf: {  	[smem:$0x3FA8] =	sst s7  }
0x10: {  	[smem:$0x3FA9] =	sst s8  }
0x11: {  	[smem:$0x3FAA] =	sst s9;
	s0 =	simm.s32 @!p0 $0x0  }
0x12: {  	s1 =	sld [smem:$0x3F90];
	s0 =	simm.s32 @p0 $0x1  }
0x13: {  	[smem:$0x3FAB] =	sst s0;
	s0 =	simm.s32 @!p1 $0x0  }
0x14: {  	s2 =	sld [smem:$0x3F8F];
	s0 =	simm.s32 @p1 $0x1  }
0x15: {  	[smem:$0x3FAC] =	sst s0;
	s0 =	simm.s32 @!p2 $0x0  }
0x16: {  	s3 =	sld [smem:$0x3FDB];
	s0 =	simm.s32 @p2 $0x1  }
0x17: {  	s4 =	simm.s32 $0x1BF5;
	[smem:$0x3FAE] =	sst s0  }
0x18: {  	s0 =	sld [smem:$0x3F91];
	_ =	swait.ge [sflag:s4], $0x0  }
0x19: {  	s7 =	sld [smem:$0x3F92]  }
0x1a: {  	s8 =	sadd.s32 $0xFFFFE003, lr  }
0x1b: {  	s9 =	sadd.s32 $0xFFFFFEF7, lr;
	s5 =	simm.s32 $0xFFFFFFFF;
	p2 =	slt.u32 s8, $0xFFFFF086  }
0x1c: {  	p1 =	slt.u32 s9, $0xF7A;
	s5 =	simm.s32 @!p2 $0x0  }
0x1d: {  	s5 =	simm.s32 @p1 $0x1;
	p0 =	seq.s32 s7, s2  }
0x1e: {  	s7 =	smul.u32 @!p0 $0xF7A, s2;
	p2 =	seq.s32 @!p0 s5, $0x0  }
0x1f: {  	s9 =	smul.u32 $0xF7A, s1;
	s8 =	simm.s32 @!p0 $0x1BF5;
	p2 =	por !p2, p0  }
0x20: {  	[sflag:s8] =	ssyncset.s32 @!p0 $0xFFFFF086;
	s6 =	sadd.s32 @!p0 s3, s7;
	s7 =	simm.s32 @!p0 $0x108  }
0x21: {  	s3 =	sadd.s32 s3, s9;
	s6 =	sadd.s32 @!p0 $0x88, s6;
	s7 =	simm.s32 @p2 $0x1082  }
0x22: {  	[simem:s7], [sflag:s8] =	dma.local @!p0 [hbm:s6], $0xF7A  }
0x23: {  	s9 =	sor.u32 $0xD0000000, s2;
	s6 =	simm.s32 $0x108;
	_ =	swait.ge @!p0 [sflag:s8], $0x0  }
0x24: {  	s3 =	sadd.s32 $0x88, s3;
	s6 =	simm.s32 @!p1 $0x1082;
	[sflag:s4] =	ssyncset.s32 $0xFFFFF086  }
0x25: {  	[simem:s6], [sflag:s4] =	dma.local [hbm:s3], $0xF7A  }
0x26: {  	[smem:$0x3F92] =	sst s1;
	(tag) =	ssettag s2;
	_ =	strace s9  }
0x27: {  	s1 =	sld [smem:$0x3FA2]  }
0x28: {  	s2 =	sld [smem:$0x3FA3]  }
0x29: {  	s4 =	sld [smem:$0x3FA5]  }
0x2a: {  	p0 =	seq.s32 s5, $0x0;
	s5 =	sld [smem:$0x3FA6]  }
0x2b: {  	s6 =	sld [smem:$0x3FA7]  }
0x2c: {  	s7 =	sld [smem:$0x3FA8]  }
0x2d: {  	s3 =	simm.s32 $0x108;
	s8 =	sld [smem:$0x3FA9]  }
0x2e: {  	s3 =	simm.s32 @!p0 $0x1082;
	s9 =	sld [smem:$0x3FAA]  }
0x2f: {  	lr =	sadd.s32 s0, s3;
	s0 =	sld [smem:$0x3FA1]  }
0x30: {  	s3 =	sld [smem:$0x3FA4]  }
0x31: {  	[smem:$0x3FAD] =	sst s10  }
0x32: {  	s10 =	sld [smem:$0x3FAB];
	_ =	sdelay $0x3  }
0x33: {  	p0 =	seq.s32 s10, $0x1;
	s10 =	sld [smem:$0x3FAD];
	_ =	sdelay $0x3  }
0x34: {  	[smem:$0x3FAD] =	sst s10  }
0x35: {  	s10 =	sld [smem:$0x3FAC];
	_ =	sdelay $0x3  }
0x36: {  	p1 =	seq.s32 s10, $0x1;
	s10 =	sld [smem:$0x3FAD];
	_ =	sdelay $0x3  }
0x37: {  	[smem:$0x3FAD] =	sst s10  }
0x38: {  	s10 =	sld [smem:$0x3FAE]  }
0x39: {  	_ = 	snop;
	(pc) =	sbr.ind lr, $3  }
0x3a: {  	_ = 	snop  }
0x3b: {  	_ = 	snop  }
0x3c: {  	p2 =	seq.s32 s10, $0x1;
	s10 =	sld [smem:$0x3FAD]  }
0x3d: {  	_ =	shalt  }
0x3e: {  	_ =	shalt  }
0x3f: {  	_ =	shalt  }
0x40: {  	_ =	shalt  }
0x41: {  	_ =	shalt  }
0x42: {  	_ =	shalt  }
0x43: {  	_ =	shalt  }
0x44: {  	_ =	shalt  }
0x45: {  	_ =	shalt  }
0x46: {  	_ =	shalt  }
0x47: {  	_ =	shalt  }
0x48: {  	_ =	shalt  }
0x49: {  	_ =	shalt  }
0x4a: {  	_ =	shalt  }
0x4b: {  	_ =	shalt  }
0x4c: {  	_ =	shalt  }
0x4d: {  	_ =	shalt  }
0x4e: {  	_ =	shalt  }
0x4f: {  	_ =	shalt  }
0x50: {  	_ =	shalt  }
0x51: {  	_ =	shalt  }
0x52: {  	_ =	shalt  }
0x53: {  	_ =	shalt  }
0x54: {  	_ =	shalt  }
0x55: {  	_ =	shalt  }
0x56: {  	_ =	shalt  }
0x57: {  	_ =	shalt  }
0x58: {  	_ =	shalt  }
0x59: {  	_ =	shalt  }
0x5a: {  	_ =	shalt  }
0x5b: {  	_ =	shalt  }
0x5c: {  	_ =	shalt  }
0x5d: {  	_ =	shalt  }
0x5e: {  	_ =	shalt  }
0x5f: {  	_ =	shalt  }
0x60: {  	_ =	shalt  }
0x61: {  	_ =	shalt  }
0x62: {  	_ =	shalt  }
0x63: {  	_ =	shalt  }
0x64: {  	_ =	shalt  }
0x65: {  	_ =	shalt  }
0x66: {  	_ =	shalt  }
0x67: {  	_ =	shalt  }
0x68: {  	_ =	shalt  }
0x69: {  	_ =	shalt  }
0x6a: {  	_ =	shalt  }
0x6b: {  	_ =	shalt  }
0x6c: {  	_ =	shalt  }
0x6d: {  	_ =	shalt  }
0x6e: {  	_ =	shalt  }
0x6f: {  	_ =	shalt  }
0x70: {  	_ =	shalt  }
0x71: {  	_ =	shalt  }
0x72: {  	_ =	shalt  }
0x73: {  	_ =	shalt  }
0x74: {  	_ =	shalt  }
0x75: {  	_ =	shalt  }
0x76: {  	_ =	shalt  }
0x77: {  	_ =	shalt  }
0x78: {  	_ =	shalt  }
0x79: {  	_ =	shalt  }
0x7a: {  	_ =	shalt  }
0x7b: {  	_ =	shalt  }
0x7c: {  	_ =	shalt  }
0x7d: {  	_ =	shalt  }
0x7e: {  	_ =	shalt  }
0x7f: {  	_ =	shalt  }
0x80: {  	_ =	shalt  }
0x81: {  	_ =	shalt  }
0x82: {  	_ =	shalt  }
0x83: {  	_ =	shalt  }
0x84: {  	_ =	shalt  }
0x85: {  	_ =	shalt  }
0x86: {  	_ =	shalt  }
0x87: {  	_ =	shalt  }
.Lfunc_end0:
.L_simem_size_0:
called_computation.1_lowered:
.L_overlay_start_0:
0x88: {  	s2 =	sld [smem:$0x3FD9]  }
0x89: {  	s3 =	sld [smem:$0x3FFE];
	_ =	sdelay $0x1  }
0x8a: {  	s1 =	srdreg.scid  }
0x8b: {  	s0 =	sand.u32 $0x1, s1  }
0x8c: {  	s16 =	sshll.u32 s0, $0xA;
	s2 =	sadd.s32 s3, s2  }
0x8d: {  	s2 =	sadd.s32 s2, s16  }
0x8e: {  	[smem:$0x3FB9] =	sst s2  }
0x8f: {  	_ = 	snop  }
0x90: {  	(tm) =	ssettm $0x1  }
0x91: {  	s17 =	sld [smem:$0x3FFB];
	_ =	sdelay $0x3  }
0x92: {  	_ =	strace s17  }
0x93: {  	s2 =	sld [smem:$0x3FFC];
	_ =	sdelay $0x3  }
0x94: {  	_ =	strace s2  }
0x95: {  	s2 =	sld [smem:$0x3FFD];
	_ =	sdelay $0x3  }
0x96: {  	_ =	strace s2  }
0x97: {  	_ =	strace $0x8FFFFFFF  }
0x98: {  	s18 =	sld [smem:$0x3FDB];
	_ =	sdelay $0x1  }
0x99: {  	s19 =	simm.s32 $_scs_section_size  }
0x9a: {  	s4 =	simm.s32 $_size__tile_overlayer_lowered;
	s5 =	simm.s32 $_tile_overlayer_lowered  }
0x9b: {  	s22 =	simm.s32 $0x1BFF;
	s21 =	sshll.u32 s5, $0x1;
	s2 =	sadd.s32 s19, s18  }
0x9c: {  	s6 =	simm.s32 $0x0;
	s20 =	sshll.u32 s4, $0x1;
	s4 =	sadd.s32 s21, s2  }
0x9d: {  	[timem:s6], [sflag:s22] =	dma.local [hbm:s4], s20  }
0x9e: {  	_ =	swait.ge [sflag:s22], s20  }
0x9f: {  	s3 =	ssub.s32 $0x0, s20;
	[sflag:s22] =	ssyncset.done $0x0  }
0xa0: {  	[sflag:s22] =	ssyncadd.s32 s3;
	_ =	sdelay $0x1  }
0xa1: {  	s23 =	simm.s32 $0x1B8B  }
0xa2: {  	_ =	swait.ge [sflag:s23], $0x1  }
0xa3: {  	[sflag:s23] =	ssyncset.done $0x0  }
0xa4: {  	s25 =	simm.s32 $0x1B8E;
	s24 =	sld [smem:$0x3FFE];
	[sflag:s23] =	ssyncadd.s32 $0xFFFFFFFF  }
0xa5: {  	s26 =	simm.s32 $execute0_lowered;
	[smem:$0x3FD2] =	sst s25  }
0xa6: {  	s4 =	sshll.u32 s26, $0x1;
	_ =	strace $0x80000049;
	[dreg:$0x1] =	wrdreg $0xFFFFFFFF  }
0xa7: {  	s28 =	simm.s32 $_size_execute0_lowered;
	s2 =	sadd.s32 s2, s4;
	[dreg:$0x0] =	wrdreg $0x0  }
0xa8: {  	s4 =	sshll.u32 s28, $0x1;
	[dreg:$0x2] =	wrdreg s2  }
0xa9: {  	[dreg:$0x3] =	wrdreg s4  }
0xaa: {  	[dreg:$0x4] =	wrdreg $0xC0  }
0xab: {  	_ =	task [dreg:s6], $0x5FFFF  }
0xac: {  	[dreg:$0x1] =	wrdreg $0xFFFFFFFF  }
0xad: {  	[dreg:$0x0] =	wrdreg $0x60  }
0xae: {  	[dreg:$0x2] =	wrdreg s24  }
0xaf: {  	[dreg:$0x3] =	wrdreg $0xA0000  }
0xb0: {  	[dreg:$0x4] =	wrdreg $0x9  }
0xb1: {  	_ =	task.clear_ibuf [dreg:s6], $0x5FFFF;
	_ =	strace $0x90000049  }
0xb2: {  	s29 =	simm.s32 $0x9;
	_ =	strace $0x8000004B  }
0xb3: {  	_ =	swait.ge [sflag:s29], $0x1  }
0xb4: {  	[sflag:s29] =	ssyncadd.s32 $0xFFFFFFFF  }
0xb5: {  	_ =	strace $0x9000004B  }
0xb6: {  	_ =	sfence  }
0xb7: {  	s30 =	sld [smem:$0x0];
	_ =	sdelay $0x2  }
0xb8: {  	s31 =	sshll.u32 s1, $0xD;
	s1 =	sshrl.u32 s1, $0x2  }
0xb9: {  	s3 =	sand.u32 $0x4000, s31;
	s1 =	sadd.s32 s1, s30  }
0xba: {  	s0 =	sor.u32 s3, s0;
	s1 =	sshll.u32 s1, $0x11  }
0xbb: {  	s0 =	sor.u32 s1, s0  }
0xbc: {  	s0 =	sadd.s32 $0x8F2B, s0  }
0xbd: {  	[sflag:s0] =	ssyncadd.remote.s32 $0x1  }
0xbe: {  	_ =	sfence.sel $0xFFFF  }
0xbf: {  	[dreg:$0x0] =	wrdreg $0xFFFFFFFF;
	(pc) =	sbr.abs _section_cstart, $3  }
0xc0: {  	[dreg:$0x1] =	wrdreg $0xFFFFFFFF  }
0xc1: {  	_ =	task.clear_ibuf [dreg:s6], $0x2FFFF;
	_ =	strace $0x9FFFFFFF  }
0xc2: {  	(tm) =	ssettm $0x7FFFFFFF  }
0xc3: {  	_ =	shalt  }
tec
execute0_lowered:
.L_overlay_start_1:
0x0: {  	(tag) =	ssettag $0x1  }
0x1: {  	s8 =	rddreg [dreg:$0x0]  }
0x2: {  	s1 =	rddreg [dreg:$0x1];
	s3 =	simm.s32 $0x0  }
0x3: {  	s4 =	srdreg.scid;
	s2 =	stileid.u32;
	s17 =	simm.s32 $0x2000  }
0x4: {  	s18 =	simm.s32 $0x6000;
	s19 =	simm.s32 $0x1;
	s20 =	simm.s32 $0x2  }
0x5: {  	s21 =	simm.s32 $0x1080;
	s22 =	simm.s32 $0x3;
	s23 =	simm.s32 $0x4  }
0x6: {  	s25 =	simm.s32 $0x20;
	s26 =	simm.s32 $0x10;
	s28 =	simm.s32 $0x0  }
0x7: {  	[smem:$0x7FF] =	sst s3;
	s9 =	sand.u32 $0x1, s4;
	s7 =	smul.u32 $0x27100, s2  }
0x8: {  	s4 =	sadd.s32 $0x18600, s8;
	s5 =	sadd.s32 $0x66800, s8;
	s11 =	smul.u32 $0x4E400, s2  }
0x9: {  	s6 =	sadd.s32 $0xBE00, s8;
	s14 =	smul.u32 $0x4E200, s2;
	s30 =	sshll.u32 s2, $0x6  }
0xa: {  	_ =	strace $0x8000004A;
	s10 =	sshll.u32 s9, $0x7;
	s12 =	smul.u32 $0x50000, s9  }
0xb: {  	s9 =	ssub.s32 $0x2, s9;
	s10 =	sor.u32 s10, s7;
	s7 =	sadd.s32 $0x15E00, s8  }
0xc: {  	s29 =	sshrl.u32 s9, $0x1;
	s11 =	sshrl.u32 s11, $0x2;
	s31 =	sshrl.u32 s14, $0x2  }
0xd: {  	s14 =	simm.s32 $0x5;
	s10 =	sshrl.u32 s10, $0x3;
	s15 =	ssub.s32 s9, s29  }
0xe: {  	s16 =	sadd.s32 s11, s1;
	s9 =	sor.u32 $0x1C05, s30;
	s24 =	sadd.s32 s31, s1  }
0xf: {  	s13 =	sadd.s32 s10, s8;
	s8 =	smul.u32 $0x5000, s2;
	s24 =	sshrl.u32 s24, $0x3  }
0x10: {  	s11 =	sadd.s32 $0x7A800, s13;
	s13 =	sshrl.u32 s16, $0x3;
	s16 =	simm.s32 $0x80  }
0x11: {  	s10 =	sadd.s32 s12, s8;
	s12 =	smax.u32 s15, $0x1;
	s15 =	simm.s32 $0x1000  }
.LBB2_1:
0x12: {  	[spmem:s13], [sflag:s9] =	dma.local [hbm:s7], $0x2720  }
0x13: {  	_ =	swait.ge [sflag:s14], $0x2720  }
0x14: {  	[sflag:s14] =	ssyncset.done $0x0  }
0x15: {  	[sflag:s14] =	ssyncadd.s32 $0xFFFFD8E0  }
0x16: {  	p0 =	por $0x0, $0x0;
	s29 =	simm.s32 $0x0;
	[bflag:$0x0] =	sbarrier.arrive $0xFFFF  }
.LBB2_2:
0x17: {  	s30 =	simm.s32 @p0 $0x3  }
0x18: {  	_ =	swait.ge @p0 [sflag:s30], $0x4000  }
0x19: {  	[sflag:s30] =	ssyncset.done @p0 $0x0  }
0x1a: {  	s31 =	sshll.u32 s29, $0xC;
	[sflag:s30] =	ssyncadd.s32 @p0 $0xFFFFC000;
	s30 =	simm.s32 @p0 $0x4  }
0x1b: {  	s0 =	sadd.s32 s10, s31;
	_ =	swait.ge @p0 [sflag:s30], $0x4000  }
0x1c: {  	s0 =	sshrl.u32 s0, $0x3;
	[sflag:s30] =	ssyncset.done @p0 $0x0  }
0x1d: {  	s0 =	sadd.s32 s5, s0;
	[sflag:s30] =	ssyncadd.s32 @p0 $0xFFFFC000  }
0x1e: {  	[tilespmem:s3], [sflag:$0x5] =	stream.linear.gather [hbm4b:s0+s3], $0x1000, $0x38;
	[tilespmem:$0x1D900] =	vst v63  }
0x1f: {  	s0 =	sadd.s32 s8, s31;
	_ =	swait.ge [sflag:s14], $0x1000  }
0x20: {  	s0 =	sshrl.u32 s0, $0x3;
	[sflag:s14] =	ssyncset.done $0x0  }
0x21: {  	s0 =	sadd.s32 s6, s0;
	[sflag:s14] =	ssyncadd.s32 $0xFFFFF000  }
0x22: {  	[tilespmem:s15], [sflag:$0x5] =	stream.linear.gather [hbm4b:s0+s3], $0x1000, $0x38;
	[tilespmem:$0x1D900] =	vst v63  }
0x23: {  	_ =	swait.ge [sflag:s14], $0x1000  }
0x24: {  	[sflag:s14] =	ssyncset.done $0x0  }
0x25: {  	[sflag:s14] =	ssyncadd.s32 $0xFFFFF000  }
0x26: {  	[tilespmem:s17], [sflag:$0x1] =	stream.indirect.gather [hbm4b:s4+s16], $0x80, s3, s16, $0xb8;
	[tilespmem:$0x1D900] =	vst v63  }
0x27: {  	_ = 	snop  }
0x28: {  	[tilespmem:s18], [sflag:$0x2] =	stream.indirect.gather [hbm4b:s4+s16], $0x80, s16, s16, $0xb8;
	[tilespmem:$0x1D900] =	vst v63  }
0x29: {  	_ =	swait.ge [sflag:s19], $0x4000  }
0x2a: {  	[sflag:s19] =	ssyncset.done $0x0  }
0x2b: {  	[sflag:s19] =	ssyncadd.s32 $0xFFFFC000  }
0x2c: {  	[spmem:s1] =	stream.indirect.scatter.add.f32 [tilespmem:s17], [sflag:$0x3], $0x80, s15, s16, $0xb8;
	[tilespmem:$0x1D900] =	vst v63  }
0x2d: {  	_ =	swait.ge [sflag:s20], $0x4000  }
0x2e: {  	[sflag:s20] =	ssyncset.done $0x0  }
0x2f: {  	[sflag:s20] =	ssyncadd.s32 $0xFFFFC000  }
0x30: {  	[spmem:s1] =	stream.indirect.scatter.add.f32 [tilespmem:s18], [sflag:$0x4], $0x80, s21, s16, $0xb8;
	[tilespmem:$0x1D900] =	vst v63  }
0x31: {  	_ =	swait.ge [sflag:s22], $0x4000  }
0x32: {  	[sflag:s22] =	ssyncset.done $0x0  }
0x33: {  	[sflag:s22] =	ssyncadd.s32 $0xFFFFC000  }
0x34: {  	_ =	swait.ge [sflag:s23], $0x4000  }
0x35: {  	[sflag:s23] =	ssyncset.done $0x0  }
0x36: {  	s0 =	simm.s32 $0x100;
	[sflag:s23] =	ssyncadd.s32 $0xFFFFC000  }
0x37: {  	[tilespmem:s17], [sflag:$0x1] =	stream.indirect.gather [hbm4b:s4+s16], $0x80, s0, s16, $0xb8;
	[tilespmem:$0x1D900] =	vst v63  }
0x38: {  	s0 =	simm.s32 $0x180  }
0x39: {  	[tilespmem:s18], [sflag:$0x2] =	stream.indirect.gather [hbm4b:s4+s16], $0x80, s0, s16, $0xb8;
	[tilespmem:$0x1D900] =	vst v63  }
0x3a: {  	_ =	swait.ge [sflag:s19], $0x4000  }
0x3b: {  	[sflag:s19] =	ssyncset.done $0x0  }
0x3c: {  	s0 =	simm.s32 $0x1100;
	[sflag:s19] =	ssyncadd.s32 $0xFFFFC000  }
0x3d: {  	[spmem:s1] =	stream.indirect.scatter.add.f32 [tilespmem:s17], [sflag:$0x3], $0x80, s0, s16, $0xb8;
	[tilespmem:$0x1D900] =	vst v63  }
0x3e: {  	_ =	swait.ge [sflag:s20], $0x4000  }
0x3f: {  	[sflag:s20] =	ssyncset.done $0x0  }
0x40: {  	s30 =	simm.s32 $0xFFFFC800;
	s31 =	simm.s32 $0x1180;
	[sflag:s20] =	ssyncadd.s32 $0xFFFFC000  }
.LBB2_3:
0x41: {  	[spmem:s1] =	stream.indirect.scatter.add.f32 [tilespmem:s18], [sflag:$0x4], $0x80, s31, s16, $0xb8;
	[tilespmem:$0x1D900] =	vst v63  }
0x42: {  	s0 =	smov.u32 s30  }
0x43: {  	p0 =	sne.s32 s30, $0xFFFFFC00;
	s30 =	sadd.s32 $0x400, s30;
	_ =	swait.ge [sflag:s22], $0x4000  }
0x44: {  	[sflag:s22] =	ssyncset.done $0x0  }
0x45: {  	[sflag:s22] =	ssyncadd.s32 $0xFFFFC000  }
0x46: {  	_ =	swait.ge [sflag:s23], $0x4000  }
0x47: {  	s0 =	sshra.s32 s0, $0x2;
	[sflag:s23] =	ssyncset.done $0x0  }
0x48: {  	s31 =	sadd.s32 $0x1000, s0;
	[sflag:s23] =	ssyncadd.s32 $0xFFFFC000  }
0x49: {  	[tilespmem:s17], [sflag:$0x1] =	stream.indirect.gather [hbm4b:s4+s16], $0x80, s31, s16, $0xb8;
	[tilespmem:$0x1D900] =	vst v63  }
0x4a: {  	s31 =	sadd.s32 $0x1080, s0  }
0x4b: {  	[tilespmem:s18], [sflag:$0x2] =	stream.indirect.gather [hbm4b:s4+s16], $0x80, s31, s16, $0xb8;
	[tilespmem:$0x1D900] =	vst v63  }
0x4c: {  	_ =	swait.ge [sflag:s19], $0x4000  }
0x4d: {  	[sflag:s19] =	ssyncset.done $0x0  }
.Ltmp0:
0x4e: {  	s31 =	sadd.s32 $0x2000, s0;
	[sflag:s19] =	ssyncadd.s32 $0xFFFFC000;
	(pc) =	sbr.rel @p0 .LBB2_3-.Ltmp0, $4  }
0x4f: {  	[spmem:s1] =	stream.indirect.scatter.add.f32 [tilespmem:s17], [sflag:$0x3], $0x80, s31, s16, $0xb8;
	[tilespmem:$0x1D900] =	vst v63  }
0x50: {  	_ =	swait.ge [sflag:s20], $0x4000  }
0x51: {  	[sflag:s20] =	ssyncset.done $0x0  }
0x52: {  	s31 =	sadd.s32 $0x2080, s0;
	[sflag:s20] =	ssyncadd.s32 $0xFFFFC000  }
0x53: {  	s29 =	sadd.s32 $0x1, s29  }
0x54: {  	p1 =	sne.s32 s29, $0x5  }
.Ltmp1:
0x55: {  	_ = 	snop;
	(pc) =	sbr.rel @p1 .LBB2_2-.Ltmp1, $3  }
0x56: {  	_ =	sdelay $0x1  }
0x57: {  	[spmem:s1] =	stream.indirect.scatter.add.f32 [tilespmem:s18], [sflag:$0x4], $0x80, s31, s16, $0xb8;
	[tilespmem:$0x1D900] =	vst v63  }
0x58: {  	p0 =	por $0x1, $0x1  }
0x59: {  	_ =	swait.ge [sflag:s22], $0x4000  }
0x5a: {  	[sflag:s22] =	ssyncset.done $0x0  }
0x5b: {  	[sflag:s22] =	ssyncadd.s32 $0xFFFFC000  }
0x5c: {  	_ =	swait.ge [sflag:s23], $0x4000  }
0x5d: {  	s28 =	sadd.s32 $0x1, s28;
	[sflag:s23] =	ssyncset.done $0x0  }
0x5e: {  	p0 =	sne.s32 s28, s12;
	[sflag:s23] =	ssyncadd.s32 $0xFFFFC000  }
.Ltmp2:
0x5f: {  	[bflag:$0x0] =	sbarrier.arrive $0xFFFF;
	(pc) =	sbr.rel @p0 .LBB2_1-.Ltmp2, $4  }
0x60: {  	[hbm:s11@s25], [sflag:s9] =	dma.strided [spmem:s24@s26], $0x2710, s19, $0x10   }
0x61: {  	_ =	swait.ge [sflag:s14], $0x2710  }
0x62: {  	[sflag:s14] =	ssyncset.done $0x0  }
0x63: {  	[sflag:s14] =	ssyncadd.s32 $0xFFFFD8F0  }
0x64: {  	_ =	sfence.sel $0x180000  }
0x65: {  	[bflag:$0x0] =	sbarrier.arrive $0xFFFF  }
0x66: {  	_ =	strace $0x9000004A  }
0x67: {  	[bflag:$0x2] =	sbarrier.arrive $0xFFFF  }
0x68: {  	p0 =	sne.s32 s2, $0x0;
	s0 =	rddreg [dreg:$0x2]  }
0x69: {  	s0 =	sadd.s32 @!p0 $0x100000, s0  }
0x6a: {  	[sflag:s0] =	ssyncadd.tile.s32 @!p0 $0x1;
	_ =	shalt  }
.Lfunc_end2:
_tile_overlayer_lowered:
.L_overlay_start_2:
0x6b: {  	(tag) =	ssettag $0x2  }
0x6c: {  	s0 =	rddreg [dreg:$0x0];
	s2 =	stileid.u32  }
0x6d: {  	s1 =	rddreg [dreg:$0x1];
	p0 =	sne.s32 s2, $0x0  }
0x6e: {  	s3 =	rddreg [dreg:$0x2];
	[bflag:$0x3] =	sbarrier.arrive $0xFFFF;
	s2 =	simm.s32 @!p0 $0x1C05  }
0x6f: {  	[timem:s3], [sflag:s2] =	dma.local @!p0 [hbm:s0], s1  }
0x70: {  	s0 =	simm.s32 @!p0 $0x5  }
0x71: {  	_ =	swait.ge @!p0 [sflag:s0], s1  }
0x72: {  	s1 =	ssub.s32 @!p0 $0x0, s1;
	[sflag:s0] =	ssyncset.done @!p0 $0x0  }
0x73: {  	[sflag:s0] =	ssyncadd.s32 @!p0 s1  }
0x74: {  	[bflag:$0x3] =	sbarrier.arrive $0xFFFF  }
0x75: {  	_ =	shalt  }

// kernel: kernel.14.cloned.1.call-start
scs
__scs_entry_jumppad:
0x0: {  	(pc) =	sbr.rel $0x88, $3  }
0x1: {  	(tag) =	ssettag $0x0;
	lr =	simm.s32 $0x1  }
0x2: {  	[smem:$0x3F92] =	sst lr;
	_ =	strace $0xD0000000  }
0x3: {  	_ = 	snop  }
0x4: {  	_ = 	snop  }
0x5: {  	_ = 	snop  }
0x6: {  	_ = 	snop  }
0x7: {  	_ = 	snop  }
__scs_overlays_trampoline_lowered:
0x8: {  	[smem:$0x3FA1] =	sst s0  }
0x9: {  	[smem:$0x3FA2] =	sst s1  }
0xa: {  	[smem:$0x3FA3] =	sst s2  }
0xb: {  	[smem:$0x3FA4] =	sst s3  }
0xc: {  	[smem:$0x3FA5] =	sst s4  }
0xd: {  	[smem:$0x3FA6] =	sst s5  }
0xe: {  	[smem:$0x3FA7] =	sst s6  }
0xf: {  	[smem:$0x3FA8] =	sst s7  }
0x10: {  	[smem:$0x3FA9] =	sst s8  }
0x11: {  	[smem:$0x3FAA] =	sst s9;
	s0 =	simm.s32 @!p0 $0x0  }
0x12: {  	s1 =	sld [smem:$0x3F90];
	s0 =	simm.s32 @p0 $0x1  }
0x13: {  	[smem:$0x3FAB] =	sst s0;
	s0 =	simm.s32 @!p1 $0x0  }
0x14: {  	s2 =	sld [smem:$0x3F8F];
	s0 =	simm.s32 @p1 $0x1  }
0x15: {  	[smem:$0x3FAC] =	sst s0;
	s0 =	simm.s32 @!p2 $0x0  }
0x16: {  	s3 =	sld [smem:$0x3FDB];
	s0 =	simm.s32 @p2 $0x1  }
0x17: {  	s4 =	simm.s32 $0x1BF5;
	[smem:$0x3FAE] =	sst s0  }
0x18: {  	s0 =	sld [smem:$0x3F91];
	_ =	swait.ge [sflag:s4], $0x0  }
0x19: {  	s7 =	sld [smem:$0x3F92]  }
0x1a: {  	s8 =	sadd.s32 $0xFFFFE003, lr  }
0x1b: {  	s9 =	sadd.s32 $0xFFFFFEF7, lr;
	s5 =	simm.s32 $0xFFFFFFFF;
	p2 =	slt.u32 s8, $0xFFFFF086  }
0x1c: {  	p1 =	slt.u32 s9, $0xF7A;
	s5 =	simm.s32 @!p2 $0x0  }
0x1d: {  	s5 =	simm.s32 @p1 $0x1;
	p0 =	seq.s32 s7, s2  }
0x1e: {  	s7 =	smul.u32 @!p0 $0xF7A, s2;
	p2 =	seq.s32 @!p0 s5, $0x0  }
0x1f: {  	s9 =	smul.u32 $0xF7A, s1;
	s8 =	simm.s32 @!p0 $0x1BF5;
	p2 =	por !p2, p0  }
0x20: {  	[sflag:s8] =	ssyncset.s32 @!p0 $0xFFFFF086;
	s6 =	sadd.s32 @!p0 s3, s7;
	s7 =	simm.s32 @!p0 $0x108  }
0x21: {  	s3 =	sadd.s32 s3, s9;
	s6 =	sadd.s32 @!p0 $0x88, s6;
	s7 =	simm.s32 @p2 $0x1082  }
0x22: {  	[simem:s7], [sflag:s8] =	dma.local @!p0 [hbm:s6], $0xF7A  }
0x23: {  	s9 =	sor.u32 $0xD0000000, s2;
	s6 =	simm.s32 $0x108;
	_ =	swait.ge @!p0 [sflag:s8], $0x0  }
0x24: {  	s3 =	sadd.s32 $0x88, s3;
	s6 =	simm.s32 @!p1 $0x1082;
	[sflag:s4] =	ssyncset.s32 $0xFFFFF086  }
0x25: {  	[simem:s6], [sflag:s4] =	dma.local [hbm:s3], $0xF7A  }
0x26: {  	[smem:$0x3F92] =	sst s1;
	(tag) =	ssettag s2;
	_ =	strace s9  }
0x27: {  	s1 =	sld [smem:$0x3FA2]  }
0x28: {  	s2 =	sld [smem:$0x3FA3]  }
0x29: {  	s4 =	sld [smem:$0x3FA5]  }
0x2a: {  	p0 =	seq.s32 s5, $0x0;
	s5 =	sld [smem:$0x3FA6]  }
0x2b: {  	s6 =	sld [smem:$0x3FA7]  }
0x2c: {  	s7 =	sld [smem:$0x3FA8]  }
0x2d: {  	s3 =	simm.s32 $0x108;
	s8 =	sld [smem:$0x3FA9]  }
0x2e: {  	s3 =	simm.s32 @!p0 $0x1082;
	s9 =	sld [smem:$0x3FAA]  }
0x2f: {  	lr =	sadd.s32 s0, s3;
	s0 =	sld [smem:$0x3FA1]  }
0x30: {  	s3 =	sld [smem:$0x3FA4]  }
0x31: {  	[smem:$0x3FAD] =	sst s10  }
0x32: {  	s10 =	sld [smem:$0x3FAB];
	_ =	sdelay $0x3  }
0x33: {  	p0 =	seq.s32 s10, $0x1;
	s10 =	sld [smem:$0x3FAD];
	_ =	sdelay $0x3  }
0x34: {  	[smem:$0x3FAD] =	sst s10  }
0x35: {  	s10 =	sld [smem:$0x3FAC];
	_ =	sdelay $0x3  }
0x36: {  	p1 =	seq.s32 s10, $0x1;
	s10 =	sld [smem:$0x3FAD];
	_ =	sdelay $0x3  }
0x37: {  	[smem:$0x3FAD] =	sst s10  }
0x38: {  	s10 =	sld [smem:$0x3FAE]  }
0x39: {  	_ = 	snop;
	(pc) =	sbr.ind lr, $3  }
0x3a: {  	_ = 	snop  }
0x3b: {  	_ = 	snop  }
0x3c: {  	p2 =	seq.s32 s10, $0x1;
	s10 =	sld [smem:$0x3FAD]  }
0x3d: {  	_ =	shalt  }
0x3e: {  	_ =	shalt  }
0x3f: {  	_ =	shalt  }
0x40: {  	_ =	shalt  }
0x41: {  	_ =	shalt  }
0x42: {  	_ =	shalt  }
0x43: {  	_ =	shalt  }
0x44: {  	_ =	shalt  }
0x45: {  	_ =	shalt  }
0x46: {  	_ =	shalt  }
0x47: {  	_ =	shalt  }
0x48: {  	_ =	shalt  }
0x49: {  	_ =	shalt  }
0x4a: {  	_ =	shalt  }
0x4b: {  	_ =	shalt  }
0x4c: {  	_ =	shalt  }
0x4d: {  	_ =	shalt  }
0x4e: {  	_ =	shalt  }
0x4f: {  	_ =	shalt  }
0x50: {  	_ =	shalt  }
0x51: {  	_ =	shalt  }
0x52: {  	_ =	shalt  }
0x53: {  	_ =	shalt  }
0x54: {  	_ =	shalt  }
0x55: {  	_ =	shalt  }
0x56: {  	_ =	shalt  }
0x57: {  	_ =	shalt  }
0x58: {  	_ =	shalt  }
0x59: {  	_ =	shalt  }
0x5a: {  	_ =	shalt  }
0x5b: {  	_ =	shalt  }
0x5c: {  	_ =	shalt  }
0x5d: {  	_ =	shalt  }
0x5e: {  	_ =	shalt  }
0x5f: {  	_ =	shalt  }
0x60: {  	_ =	shalt  }
0x61: {  	_ =	shalt  }
0x62: {  	_ =	shalt  }
0x63: {  	_ =	shalt  }
0x64: {  	_ =	shalt  }
0x65: {  	_ =	shalt  }
0x66: {  	_ =	shalt  }
0x67: {  	_ =	shalt  }
0x68: {  	_ =	shalt  }
0x69: {  	_ =	shalt  }
0x6a: {  	_ =	shalt  }
0x6b: {  	_ =	shalt  }
0x6c: {  	_ =	shalt  }
0x6d: {  	_ =	shalt  }
0x6e: {  	_ =	shalt  }
0x6f: {  	_ =	shalt  }
0x70: {  	_ =	shalt  }
0x71: {  	_ =	shalt  }
0x72: {  	_ =	shalt  }
0x73: {  	_ =	shalt  }
0x74: {  	_ =	shalt  }
0x75: {  	_ =	shalt  }
0x76: {  	_ =	shalt  }
0x77: {  	_ =	shalt  }
0x78: {  	_ =	shalt  }
0x79: {  	_ =	shalt  }
0x7a: {  	_ =	shalt  }
0x7b: {  	_ =	shalt  }
0x7c: {  	_ =	shalt  }
0x7d: {  	_ =	shalt  }
0x7e: {  	_ =	shalt  }
0x7f: {  	_ =	shalt  }
0x80: {  	_ =	shalt  }
0x81: {  	_ =	shalt  }
0x82: {  	_ =	shalt  }
0x83: {  	_ =	shalt  }
0x84: {  	_ =	shalt  }
0x85: {  	_ =	shalt  }
0x86: {  	_ =	shalt  }
0x87: {  	_ =	shalt  }
.Lfunc_end0:
.L_simem_size_0:
called_computation.2_lowered:
.L_overlay_start_0:
0x88: {  	s2 =	sld [smem:$0x3FD9]  }
0x89: {  	s3 =	sld [smem:$0x3FFE];
	_ =	sdelay $0x1  }
0x8a: {  	s1 =	srdreg.scid  }
0x8b: {  	s0 =	sand.u32 $0x1, s1  }
0x8c: {  	s16 =	sshll.u32 s0, $0xA;
	s2 =	sadd.s32 s3, s2  }
0x8d: {  	s2 =	sadd.s32 s2, s16  }
0x8e: {  	[smem:$0x3FB9] =	sst s2  }
0x8f: {  	_ = 	snop  }
0x90: {  	(tm) =	ssettm $0x1  }
0x91: {  	s17 =	sld [smem:$0x3FFB];
	_ =	sdelay $0x3  }
0x92: {  	_ =	strace s17  }
0x93: {  	s2 =	sld [smem:$0x3FFC];
	_ =	sdelay $0x3  }
0x94: {  	_ =	strace s2  }
0x95: {  	s2 =	sld [smem:$0x3FFD];
	_ =	sdelay $0x3  }
0x96: {  	_ =	strace s2  }
0x97: {  	_ =	strace $0x8FFFFFFF  }
0x98: {  	s18 =	sld [smem:$0x3FDB];
	_ =	sdelay $0x1  }
0x99: {  	s19 =	simm.s32 $_scs_section_size  }
0x9a: {  	s4 =	simm.s32 $_size__tile_overlayer_lowered;
	s5 =	simm.s32 $_tile_overlayer_lowered  }
0x9b: {  	s22 =	simm.s32 $0x1BFF;
	s21 =	sshll.u32 s5, $0x1;
	s2 =	sadd.s32 s19, s18  }
0x9c: {  	s6 =	simm.s32 $0x0;
	s20 =	sshll.u32 s4, $0x1;
	s4 =	sadd.s32 s21, s2  }
0x9d: {  	[timem:s6], [sflag:s22] =	dma.local [hbm:s4], s20  }
0x9e: {  	_ =	swait.ge [sflag:s22], s20  }
0x9f: {  	s3 =	ssub.s32 $0x0, s20;
	[sflag:s22] =	ssyncset.done $0x0  }
0xa0: {  	[sflag:s22] =	ssyncadd.s32 s3;
	_ =	sdelay $0x1  }
0xa1: {  	s23 =	simm.s32 $0x1B8B  }
0xa2: {  	_ =	swait.ge [sflag:s23], $0x1  }
0xa3: {  	[sflag:s23] =	ssyncset.done $0x0  }
0xa4: {  	s25 =	simm.s32 $0x1B8E;
	s24 =	sld [smem:$0x3FFE];
	[sflag:s23] =	ssyncadd.s32 $0xFFFFFFFF  }
0xa5: {  	s26 =	simm.s32 $execute0_lowered;
	[smem:$0x3FD2] =	sst s25  }
0xa6: {  	s4 =	sshll.u32 s26, $0x1;
	_ =	strace $0x8000004C;
	[dreg:$0x1] =	wrdreg $0xFFFFFFFF  }
0xa7: {  	s28 =	simm.s32 $_size_execute0_lowered;
	s2 =	sadd.s32 s2, s4;
	[dreg:$0x0] =	wrdreg $0x0  }
0xa8: {  	s4 =	sshll.u32 s28, $0x1;
	[dreg:$0x2] =	wrdreg s2  }
0xa9: {  	[dreg:$0x3] =	wrdreg s4  }
0xaa: {  	[dreg:$0x4] =	wrdreg $0xC0  }
0xab: {  	_ =	task [dreg:s6], $0x5FFFF  }
0xac: {  	[dreg:$0x1] =	wrdreg $0xFFFFFFFF  }
0xad: {  	[dreg:$0x0] =	wrdreg $0x60  }
0xae: {  	[dreg:$0x2] =	wrdreg s24  }
0xaf: {  	[dreg:$0x3] =	wrdreg $0xA0000  }
0xb0: {  	[dreg:$0x4] =	wrdreg $0x9  }
0xb1: {  	_ =	task.clear_ibuf [dreg:s6], $0x5FFFF;
	_ =	strace $0x9000004C  }
0xb2: {  	s29 =	simm.s32 $0x9;
	_ =	strace $0x8000004E  }
0xb3: {  	_ =	swait.ge [sflag:s29], $0x1  }
0xb4: {  	[sflag:s29] =	ssyncadd.s32 $0xFFFFFFFF  }
0xb5: {  	_ =	strace $0x9000004E  }
0xb6: {  	_ =	sfence  }
0xb7: {  	s30 =	sld [smem:$0x0];
	_ =	sdelay $0x2  }
0xb8: {  	s31 =	sshll.u32 s1, $0xD;
	s1 =	sshrl.u32 s1, $0x2  }
0xb9: {  	s3 =	sand.u32 $0x4000, s31;
	s1 =	sadd.s32 s1, s30  }
0xba: {  	s0 =	sor.u32 s3, s0;
	s1 =	sshll.u32 s1, $0x11  }
0xbb: {  	s0 =	sor.u32 s1, s0  }
0xbc: {  	s0 =	sadd.s32 $0x8F2B, s0  }
0xbd: {  	[sflag:s0] =	ssyncadd.remote.s32 $0x1  }
0xbe: {  	_ =	sfence.sel $0xFFFF  }
0xbf: {  	[dreg:$0x0] =	wrdreg $0xFFFFFFFF;
	(pc) =	sbr.abs _section_cstart, $3  }
0xc0: {  	[dreg:$0x1] =	wrdreg $0xFFFFFFFF  }
0xc1: {  	_ =	task.clear_ibuf [dreg:s6], $0x2FFFF;
	_ =	strace $0x9FFFFFFF  }
0xc2: {  	(tm) =	ssettm $0x7FFFFFFF  }
0xc3: {  	_ =	shalt  }
tec
execute0_lowered:
.L_overlay_start_1:
0x0: {  	(tag) =	ssettag $0x1  }
0x1: {  	s8 =	rddreg [dreg:$0x0]  }
0x2: {  	s1 =	rddreg [dreg:$0x1];
	s3 =	simm.s32 $0x0  }
0x3: {  	s4 =	srdreg.scid;
	s2 =	stileid.u32;
	s17 =	simm.s32 $0x2000  }
0x4: {  	s18 =	simm.s32 $0x6000;
	s19 =	simm.s32 $0x1;
	s20 =	simm.s32 $0x2  }
0x5: {  	s21 =	simm.s32 $0x1080;
	s22 =	simm.s32 $0x3;
	s23 =	simm.s32 $0x4  }
0x6: {  	s25 =	simm.s32 $0x20;
	s26 =	simm.s32 $0x10;
	s28 =	simm.s32 $0x0  }
0x7: {  	[smem:$0x7FF] =	sst s3;
	s9 =	sand.u32 $0x1, s4;
	s7 =	smul.u32 $0x27100, s2  }
0x8: {  	s4 =	sadd.s32 $0x7A800, s8;
	s5 =	sadd.s32 $0x66800, s8;
	s11 =	smul.u32 $0x4E400, s2  }
0x9: {  	s6 =	sadd.s32 $0xBE00, s8;
	s14 =	smul.u32 $0x4E200, s2;
	s30 =	sshll.u32 s2, $0x6  }
0xa: {  	_ =	strace $0x8000004D;
	s10 =	sshll.u32 s9, $0x7;
	s12 =	smul.u32 $0x50000, s9  }
0xb: {  	s9 =	ssub.s32 $0x2, s9;
	s10 =	sor.u32 s10, s7;
	s7 =	sadd.s32 $0x15E00, s8  }
0xc: {  	s29 =	sshrl.u32 s9, $0x1;
	s11 =	sshrl.u32 s11, $0x2;
	s31 =	sshrl.u32 s14, $0x2  }
0xd: {  	s14 =	simm.s32 $0x5;
	s10 =	sshrl.u32 s10, $0x3;
	s15 =	ssub.s32 s9, s29  }
0xe: {  	s16 =	sadd.s32 s11, s1;
	s9 =	sor.u32 $0x1C05, s30;
	s24 =	sadd.s32 s31, s1  }
0xf: {  	s13 =	sadd.s32 s10, s8;
	s8 =	smul.u32 $0x5000, s2;
	s24 =	sshrl.u32 s24, $0x3  }
0x10: {  	s11 =	sadd.s32 $0xC8A00, s13;
	s13 =	sshrl.u32 s16, $0x3;
	s16 =	simm.s32 $0x80  }
0x11: {  	s10 =	sadd.s32 s12, s8;
	s12 =	smax.u32 s15, $0x1;
	s15 =	simm.s32 $0x1000  }
.LBB2_1:
0x12: {  	[spmem:s13], [sflag:s9] =	dma.local [hbm:s7], $0x2720  }
0x13: {  	_ =	swait.ge [sflag:s14], $0x2720  }
0x14: {  	[sflag:s14] =	ssyncset.done $0x0  }
0x15: {  	[sflag:s14] =	ssyncadd.s32 $0xFFFFD8E0  }
0x16: {  	p0 =	por $0x0, $0x0;
	s29 =	simm.s32 $0x0;
	[bflag:$0x0] =	sbarrier.arrive $0xFFFF  }
.LBB2_2:
0x17: {  	s30 =	simm.s32 @p0 $0x3  }
0x18: {  	_ =	swait.ge @p0 [sflag:s30], $0x4000  }
0x19: {  	[sflag:s30] =	ssyncset.done @p0 $0x0  }
0x1a: {  	s31 =	sshll.u32 s29, $0xC;
	[sflag:s30] =	ssyncadd.s32 @p0 $0xFFFFC000;
	s30 =	simm.s32 @p0 $0x4  }
0x1b: {  	s0 =	sadd.s32 s10, s31;
	_ =	swait.ge @p0 [sflag:s30], $0x4000  }
0x1c: {  	s0 =	sshrl.u32 s0, $0x3;
	[sflag:s30] =	ssyncset.done @p0 $0x0  }
0x1d: {  	s0 =	sadd.s32 s5, s0;
	[sflag:s30] =	ssyncadd.s32 @p0 $0xFFFFC000  }
0x1e: {  	[tilespmem:s3], [sflag:$0x5] =	stream.linear.gather [hbm4b:s0+s3], $0x1000, $0x38;
	[tilespmem:$0x1D900] =	vst v63  }
0x1f: {  	s0 =	sadd.s32 s8, s31;
	_ =	swait.ge [sflag:s14], $0x1000  }
0x20: {  	s0 =	sshrl.u32 s0, $0x3;
	[sflag:s14] =	ssyncset.done $0x0  }
0x21: {  	s0 =	sadd.s32 s6, s0;
	[sflag:s14] =	ssyncadd.s32 $0xFFFFF000  }
0x22: {  	[tilespmem:s15], [sflag:$0x5] =	stream.linear.gather [hbm4b:s0+s3], $0x1000, $0x38;
	[tilespmem:$0x1D900] =	vst v63  }
0x23: {  	_ =	swait.ge [sflag:s14], $0x1000  }
0x24: {  	[sflag:s14] =	ssyncset.done $0x0  }
0x25: {  	[sflag:s14] =	ssyncadd.s32 $0xFFFFF000  }
0x26: {  	[tilespmem:s17], [sflag:$0x1] =	stream.indirect.gather [hbm4b:s4+s16], $0x80, s3, s16, $0xb8;
	[tilespmem:$0x1D900] =	vst v63  }
0x27: {  	_ = 	snop  }
0x28: {  	[tilespmem:s18], [sflag:$0x2] =	stream.indirect.gather [hbm4b:s4+s16], $0x80, s16, s16, $0xb8;
	[tilespmem:$0x1D900] =	vst v63  }
0x29: {  	_ =	swait.ge [sflag:s19], $0x4000  }
0x2a: {  	[sflag:s19] =	ssyncset.done $0x0  }
0x2b: {  	[sflag:s19] =	ssyncadd.s32 $0xFFFFC000  }
0x2c: {  	[spmem:s1] =	stream.indirect.scatter.add.f32 [tilespmem:s17], [sflag:$0x3], $0x80, s15, s16, $0xb8;
	[tilespmem:$0x1D900] =	vst v63  }
0x2d: {  	_ =	swait.ge [sflag:s20], $0x4000  }
0x2e: {  	[sflag:s20] =	ssyncset.done $0x0  }
0x2f: {  	[sflag:s20] =	ssyncadd.s32 $0xFFFFC000  }
0x30: {  	[spmem:s1] =	stream.indirect.scatter.add.f32 [tilespmem:s18], [sflag:$0x4], $0x80, s21, s16, $0xb8;
	[tilespmem:$0x1D900] =	vst v63  }
0x31: {  	_ =	swait.ge [sflag:s22], $0x4000  }
0x32: {  	[sflag:s22] =	ssyncset.done $0x0  }
0x33: {  	[sflag:s22] =	ssyncadd.s32 $0xFFFFC000  }
0x34: {  	_ =	swait.ge [sflag:s23], $0x4000  }
0x35: {  	[sflag:s23] =	ssyncset.done $0x0  }
0x36: {  	s0 =	simm.s32 $0x100;
	[sflag:s23] =	ssyncadd.s32 $0xFFFFC000  }
0x37: {  	[tilespmem:s17], [sflag:$0x1] =	stream.indirect.gather [hbm4b:s4+s16], $0x80, s0, s16, $0xb8;
	[tilespmem:$0x1D900] =	vst v63  }
0x38: {  	s0 =	simm.s32 $0x180  }
0x39: {  	[tilespmem:s18], [sflag:$0x2] =	stream.indirect.gather [hbm4b:s4+s16], $0x80, s0, s16, $0xb8;
	[tilespmem:$0x1D900] =	vst v63  }
0x3a: {  	_ =	swait.ge [sflag:s19], $0x4000  }
0x3b: {  	[sflag:s19] =	ssyncset.done $0x0  }
0x3c: {  	s0 =	simm.s32 $0x1100;
	[sflag:s19] =	ssyncadd.s32 $0xFFFFC000  }
0x3d: {  	[spmem:s1] =	stream.indirect.scatter.add.f32 [tilespmem:s17], [sflag:$0x3], $0x80, s0, s16, $0xb8;
	[tilespmem:$0x1D900] =	vst v63  }
0x3e: {  	_ =	swait.ge [sflag:s20], $0x4000  }
0x3f: {  	[sflag:s20] =	ssyncset.done $0x0  }
0x40: {  	s30 =	simm.s32 $0xFFFFC800;
	s31 =	simm.s32 $0x1180;
	[sflag:s20] =	ssyncadd.s32 $0xFFFFC000  }
.LBB2_3:
0x41: {  	[spmem:s1] =	stream.indirect.scatter.add.f32 [tilespmem:s18], [sflag:$0x4], $0x80, s31, s16, $0xb8;
	[tilespmem:$0x1D900] =	vst v63  }
0x42: {  	s0 =	smov.u32 s30  }
0x43: {  	p0 =	sne.s32 s30, $0xFFFFFC00;
	s30 =	sadd.s32 $0x400, s30;
	_ =	swait.ge [sflag:s22], $0x4000  }
0x44: {  	[sflag:s22] =	ssyncset.done $0x0  }
0x45: {  	[sflag:s22] =	ssyncadd.s32 $0xFFFFC000  }
0x46: {  	_ =	swait.ge [sflag:s23], $0x4000  }
0x47: {  	s0 =	sshra.s32 s0, $0x2;
	[sflag:s23] =	ssyncset.done $0x0  }
0x48: {  	s31 =	sadd.s32 $0x1000, s0;
	[sflag:s23] =	ssyncadd.s32 $0xFFFFC000  }
0x49: {  	[tilespmem:s17], [sflag:$0x1] =	stream.indirect.gather [hbm4b:s4+s16], $0x80, s31, s16, $0xb8;
	[tilespmem:$0x1D900] =	vst v63  }
0x4a: {  	s31 =	sadd.s32 $0x1080, s0  }
0x4b: {  	[tilespmem:s18], [sflag:$0x2] =	stream.indirect.gather [hbm4b:s4+s16], $0x80, s31, s16, $0xb8;
	[tilespmem:$0x1D900] =	vst v63  }
0x4c: {  	_ =	swait.ge [sflag:s19], $0x4000  }
0x4d: {  	[sflag:s19] =	ssyncset.done $0x0  }
.Ltmp0:
0x4e: {  	s31 =	sadd.s32 $0x2000, s0;
	[sflag:s19] =	ssyncadd.s32 $0xFFFFC000;
	(pc) =	sbr.rel @p0 .LBB2_3-.Ltmp0, $4  }
0x4f: {  	[spmem:s1] =	stream.indirect.scatter.add.f32 [tilespmem:s17], [sflag:$0x3], $0x80, s31, s16, $0xb8;
	[tilespmem:$0x1D900] =	vst v63  }
0x50: {  	_ =	swait.ge [sflag:s20], $0x4000  }
0x51: {  	[sflag:s20] =	ssyncset.done $0x0  }
0x52: {  	s31 =	sadd.s32 $0x2080, s0;
	[sflag:s20] =	ssyncadd.s32 $0xFFFFC000  }
0x53: {  	s29 =	sadd.s32 $0x1, s29  }
0x54: {  	p1 =	sne.s32 s29, $0x5  }
.Ltmp1:
0x55: {  	_ = 	snop;
	(pc) =	sbr.rel @p1 .LBB2_2-.Ltmp1, $3  }
0x56: {  	_ =	sdelay $0x1  }
0x57: {  	[spmem:s1] =	stream.indirect.scatter.add.f32 [tilespmem:s18], [sflag:$0x4], $0x80, s31, s16, $0xb8;
	[tilespmem:$0x1D900] =	vst v63  }
0x58: {  	p0 =	por $0x1, $0x1  }
0x59: {  	_ =	swait.ge [sflag:s22], $0x4000  }
0x5a: {  	[sflag:s22] =	ssyncset.done $0x0  }
0x5b: {  	[sflag:s22] =	ssyncadd.s32 $0xFFFFC000  }
0x5c: {  	_ =	swait.ge [sflag:s23], $0x4000  }
0x5d: {  	s28 =	sadd.s32 $0x1, s28;
	[sflag:s23] =	ssyncset.done $0x0  }
0x5e: {  	p0 =	sne.s32 s28, s12;
	[sflag:s23] =	ssyncadd.s32 $0xFFFFC000  }
.Ltmp2:
0x5f: {  	[bflag:$0x0] =	sbarrier.arrive $0xFFFF;
	(pc) =	sbr.rel @p0 .LBB2_1-.Ltmp2, $4  }
0x60: {  	[hbm:s11@s25], [sflag:s9] =	dma.strided [spmem:s24@s26], $0x2710, s19, $0x10   }
0x61: {  	_ =	swait.ge [sflag:s14], $0x2710  }
0x62: {  	[sflag:s14] =	ssyncset.done $0x0  }
0x63: {  	[sflag:s14] =	ssyncadd.s32 $0xFFFFD8F0  }
0x64: {  	_ =	sfence.sel $0x180000  }
0x65: {  	[bflag:$0x0] =	sbarrier.arrive $0xFFFF  }
0x66: {  	_ =	strace $0x9000004D  }
0x67: {  	[bflag:$0x2] =	sbarrier.arrive $0xFFFF  }
0x68: {  	p0 =	sne.s32 s2, $0x0;
	s0 =	rddreg [dreg:$0x2]  }
0x69: {  	s0 =	sadd.s32 @!p0 $0x100000, s0  }
0x6a: {  	[sflag:s0] =	ssyncadd.tile.s32 @!p0 $0x1;
	_ =	shalt  }
.Lfunc_end2:
_tile_overlayer_lowered:
.L_overlay_start_2:
0x6b: {  	(tag) =	ssettag $0x2  }
0x6c: {  	s0 =	rddreg [dreg:$0x0];
	s2 =	stileid.u32  }
0x6d: {  	s1 =	rddreg [dreg:$0x1];
	p0 =	sne.s32 s2, $0x0  }
0x6e: {  	s3 =	rddreg [dreg:$0x2];
	[bflag:$0x3] =	sbarrier.arrive $0xFFFF;
	s2 =	simm.s32 @!p0 $0x1C05  }
0x6f: {  	[timem:s3], [sflag:s2] =	dma.local @!p0 [hbm:s0], s1  }
0x70: {  	s0 =	simm.s32 @!p0 $0x5  }
0x71: {  	_ =	swait.ge @!p0 [sflag:s0], s1  }
0x72: {  	s1 =	ssub.s32 @!p0 $0x0, s1;
	[sflag:s0] =	ssyncset.done @!p0 $0x0  }
0x73: {  	[sflag:s0] =	ssyncadd.s32 @!p0 s1  }
0x74: {  	[bflag:$0x3] =	sbarrier.arrive $0xFFFF  }
0x75: {  	_ =	shalt  }

// kernel: kernel.8.cloned.1.call-start
scs
__scs_entry_jumppad:
0x0: {  	(pc) =	sbr.rel $0x88, $3  }
0x1: {  	(tag) =	ssettag $0x0;
	lr =	simm.s32 $0x1  }
0x2: {  	[smem:$0x3F92] =	sst lr;
	_ =	strace $0xD0000000  }
0x3: {  	_ = 	snop  }
0x4: {  	_ = 	snop  }
0x5: {  	_ = 	snop  }
0x6: {  	_ = 	snop  }
0x7: {  	_ = 	snop  }
__scs_overlays_trampoline_lowered:
0x8: {  	[smem:$0x3FA1] =	sst s0  }
0x9: {  	[smem:$0x3FA2] =	sst s1  }
0xa: {  	[smem:$0x3FA3] =	sst s2  }
0xb: {  	[smem:$0x3FA4] =	sst s3  }
0xc: {  	[smem:$0x3FA5] =	sst s4  }
0xd: {  	[smem:$0x3FA6] =	sst s5  }
0xe: {  	[smem:$0x3FA7] =	sst s6  }
0xf: {  	[smem:$0x3FA8] =	sst s7  }
0x10: {  	[smem:$0x3FA9] =	sst s8  }
0x11: {  	[smem:$0x3FAA] =	sst s9;
	s0 =	simm.s32 @!p0 $0x0  }
0x12: {  	s1 =	sld [smem:$0x3F90];
	s0 =	simm.s32 @p0 $0x1  }
0x13: {  	[smem:$0x3FAB] =	sst s0;
	s0 =	simm.s32 @!p1 $0x0  }
0x14: {  	s2 =	sld [smem:$0x3F8F];
	s0 =	simm.s32 @p1 $0x1  }
0x15: {  	[smem:$0x3FAC] =	sst s0;
	s0 =	simm.s32 @!p2 $0x0  }
0x16: {  	s3 =	sld [smem:$0x3FDB];
	s0 =	simm.s32 @p2 $0x1  }
0x17: {  	s4 =	simm.s32 $0x1BF5;
	[smem:$0x3FAE] =	sst s0  }
0x18: {  	s0 =	sld [smem:$0x3F91];
	_ =	swait.ge [sflag:s4], $0x0  }
0x19: {  	s7 =	sld [smem:$0x3F92]  }
0x1a: {  	s8 =	sadd.s32 $0xFFFFE003, lr  }
0x1b: {  	s9 =	sadd.s32 $0xFFFFFEF7, lr;
	s5 =	simm.s32 $0xFFFFFFFF;
	p2 =	slt.u32 s8, $0xFFFFF086  }
0x1c: {  	p1 =	slt.u32 s9, $0xF7A;
	s5 =	simm.s32 @!p2 $0x0  }
0x1d: {  	s5 =	simm.s32 @p1 $0x1;
	p0 =	seq.s32 s7, s2  }
0x1e: {  	s7 =	smul.u32 @!p0 $0xF7A, s2;
	p2 =	seq.s32 @!p0 s5, $0x0  }
0x1f: {  	s9 =	smul.u32 $0xF7A, s1;
	s8 =	simm.s32 @!p0 $0x1BF5;
	p2 =	por !p2, p0  }
0x20: {  	[sflag:s8] =	ssyncset.s32 @!p0 $0xFFFFF086;
	s6 =	sadd.s32 @!p0 s3, s7;
	s7 =	simm.s32 @!p0 $0x108  }
0x21: {  	s3 =	sadd.s32 s3, s9;
	s6 =	sadd.s32 @!p0 $0x88, s6;
	s7 =	simm.s32 @p2 $0x1082  }
0x22: {  	[simem:s7], [sflag:s8] =	dma.local @!p0 [hbm:s6], $0xF7A  }
0x23: {  	s9 =	sor.u32 $0xD0000000, s2;
	s6 =	simm.s32 $0x108;
	_ =	swait.ge @!p0 [sflag:s8], $0x0  }
0x24: {  	s3 =	sadd.s32 $0x88, s3;
	s6 =	simm.s32 @!p1 $0x1082;
	[sflag:s4] =	ssyncset.s32 $0xFFFFF086  }
0x25: {  	[simem:s6], [sflag:s4] =	dma.local [hbm:s3], $0xF7A  }
0x26: {  	[smem:$0x3F92] =	sst s1;
	(tag) =	ssettag s2;
	_ =	strace s9  }
0x27: {  	s1 =	sld [smem:$0x3FA2]  }
0x28: {  	s2 =	sld [smem:$0x3FA3]  }
0x29: {  	s4 =	sld [smem:$0x3FA5]  }
0x2a: {  	p0 =	seq.s32 s5, $0x0;
	s5 =	sld [smem:$0x3FA6]  }
0x2b: {  	s6 =	sld [smem:$0x3FA7]  }
0x2c: {  	s7 =	sld [smem:$0x3FA8]  }
0x2d: {  	s3 =	simm.s32 $0x108;
	s8 =	sld [smem:$0x3FA9]  }
0x2e: {  	s3 =	simm.s32 @!p0 $0x1082;
	s9 =	sld [smem:$0x3FAA]  }
0x2f: {  	lr =	sadd.s32 s0, s3;
	s0 =	sld [smem:$0x3FA1]  }
0x30: {  	s3 =	sld [smem:$0x3FA4]  }
0x31: {  	[smem:$0x3FAD] =	sst s10  }
0x32: {  	s10 =	sld [smem:$0x3FAB];
	_ =	sdelay $0x3  }
0x33: {  	p0 =	seq.s32 s10, $0x1;
	s10 =	sld [smem:$0x3FAD];
	_ =	sdelay $0x3  }
0x34: {  	[smem:$0x3FAD] =	sst s10  }
0x35: {  	s10 =	sld [smem:$0x3FAC];
	_ =	sdelay $0x3  }
0x36: {  	p1 =	seq.s32 s10, $0x1;
	s10 =	sld [smem:$0x3FAD];
	_ =	sdelay $0x3  }
0x37: {  	[smem:$0x3FAD] =	sst s10  }
0x38: {  	s10 =	sld [smem:$0x3FAE]  }
0x39: {  	_ = 	snop;
	(pc) =	sbr.ind lr, $3  }
0x3a: {  	_ = 	snop  }
0x3b: {  	_ = 	snop  }
0x3c: {  	p2 =	seq.s32 s10, $0x1;
	s10 =	sld [smem:$0x3FAD]  }
0x3d: {  	_ =	shalt  }
0x3e: {  	_ =	shalt  }
0x3f: {  	_ =	shalt  }
0x40: {  	_ =	shalt  }
0x41: {  	_ =	shalt  }
0x42: {  	_ =	shalt  }
0x43: {  	_ =	shalt  }
0x44: {  	_ =	shalt  }
0x45: {  	_ =	shalt  }
0x46: {  	_ =	shalt  }
0x47: {  	_ =	shalt  }
0x48: {  	_ =	shalt  }
0x49: {  	_ =	shalt  }
0x4a: {  	_ =	shalt  }
0x4b: {  	_ =	shalt  }
0x4c: {  	_ =	shalt  }
0x4d: {  	_ =	shalt  }
0x4e: {  	_ =	shalt  }
0x4f: {  	_ =	shalt  }
0x50: {  	_ =	shalt  }
0x51: {  	_ =	shalt  }
0x52: {  	_ =	shalt  }
0x53: {  	_ =	shalt  }
0x54: {  	_ =	shalt  }
0x55: {  	_ =	shalt  }
0x56: {  	_ =	shalt  }
0x57: {  	_ =	shalt  }
0x58: {  	_ =	shalt  }
0x59: {  	_ =	shalt  }
0x5a: {  	_ =	shalt  }
0x5b: {  	_ =	shalt  }
0x5c: {  	_ =	shalt  }
0x5d: {  	_ =	shalt  }
0x5e: {  	_ =	shalt  }
0x5f: {  	_ =	shalt  }
0x60: {  	_ =	shalt  }
0x61: {  	_ =	shalt  }
0x62: {  	_ =	shalt  }
0x63: {  	_ =	shalt  }
0x64: {  	_ =	shalt  }
0x65: {  	_ =	shalt  }
0x66: {  	_ =	shalt  }
0x67: {  	_ =	shalt  }
0x68: {  	_ =	shalt  }
0x69: {  	_ =	shalt  }
0x6a: {  	_ =	shalt  }
0x6b: {  	_ =	shalt  }
0x6c: {  	_ =	shalt  }
0x6d: {  	_ =	shalt  }
0x6e: {  	_ =	shalt  }
0x6f: {  	_ =	shalt  }
0x70: {  	_ =	shalt  }
0x71: {  	_ =	shalt  }
0x72: {  	_ =	shalt  }
0x73: {  	_ =	shalt  }
0x74: {  	_ =	shalt  }
0x75: {  	_ =	shalt  }
0x76: {  	_ =	shalt  }
0x77: {  	_ =	shalt  }
0x78: {  	_ =	shalt  }
0x79: {  	_ =	shalt  }
0x7a: {  	_ =	shalt  }
0x7b: {  	_ =	shalt  }
0x7c: {  	_ =	shalt  }
0x7d: {  	_ =	shalt  }
0x7e: {  	_ =	shalt  }
0x7f: {  	_ =	shalt  }
0x80: {  	_ =	shalt  }
0x81: {  	_ =	shalt  }
0x82: {  	_ =	shalt  }
0x83: {  	_ =	shalt  }
0x84: {  	_ =	shalt  }
0x85: {  	_ =	shalt  }
0x86: {  	_ =	shalt  }
0x87: {  	_ =	shalt  }
.Lfunc_end0:
.L_simem_size_0:
called_computation_lowered:
.L_overlay_start_0:
0x88: {  	s2 =	sld [smem:$0x3FD9]  }
0x89: {  	s3 =	sld [smem:$0x3FFE];
	_ =	sdelay $0x1  }
0x8a: {  	s1 =	srdreg.scid  }
0x8b: {  	s0 =	sand.u32 $0x1, s1  }
0x8c: {  	s17 =	sshll.u32 s0, $0xA;
	s2 =	sadd.s32 s3, s2  }
0x8d: {  	s2 =	sadd.s32 s2, s17  }
0x8e: {  	[smem:$0x3FB9] =	sst s2  }
0x8f: {  	_ = 	snop  }
0x90: {  	s2 =	sld [smem:$0x3FC9];
	(tm) =	ssettm $0x1  }
0x91: {  	s18 =	sld [smem:$0x3FFB];
	_ =	sdelay $0x3  }
0x92: {  	_ =	strace s18  }
0x93: {  	s3 =	sld [smem:$0x3FFC];
	_ =	sdelay $0x3  }
0x94: {  	_ =	strace s3  }
0x95: {  	s3 =	sld [smem:$0x3FFD];
	_ =	sdelay $0x3  }
0x96: {  	_ =	strace s3  }
0x97: {  	_ =	strace $0x8FFFFFFF  }
0x98: {  	s19 =	sld [smem:$0x3FDB];
	_ =	sdelay $0x1  }
0x99: {  	s4 =	simm.s32 $_scs_section_size  }
0x9a: {  	s5 =	simm.s32 $_size__tile_overlayer_lowered;
	s6 =	simm.s32 $_tile_overlayer_lowered  }
0x9b: {  	s22 =	simm.s32 $0x1BFF;
	s21 =	sshll.u32 s6, $0x1;
	s3 =	sadd.s32 s4, s19  }
0x9c: {  	s7 =	simm.s32 $0x0;
	s20 =	sshll.u32 s5, $0x1;
	s5 =	sadd.s32 s21, s3  }
0x9d: {  	[timem:s7], [sflag:s22] =	dma.local [hbm:s5], s20  }
0x9e: {  	_ =	swait.ge [sflag:s22], s20  }
0x9f: {  	s4 =	ssub.s32 $0x0, s20;
	[sflag:s22] =	ssyncset.done $0x0  }
0xa0: {  	[sflag:s22] =	ssyncadd.s32 s4;
	_ =	sdelay $0x1  }
0xa1: {  	s23 =	simm.s32 $0x1B8B  }
0xa2: {  	_ =	swait.ge [sflag:s23], $0x1  }
0xa3: {  	[sflag:s23] =	ssyncset.done $0x0  }
0xa4: {  	s25 =	simm.s32 $0x1B8E;
	s24 =	sld [smem:$0x3FFE];
	[sflag:s23] =	ssyncadd.s32 $0xFFFFFFFF  }
0xa5: {  	s26 =	simm.s32 $execute0_lowered;
	[smem:$0x3FD2] =	sst s25  }
0xa6: {  	s5 =	sshll.u32 s26, $0x1;
	_ =	strace $0x80000046;
	[dreg:$0x1] =	wrdreg $0xFFFFFFFF  }
0xa7: {  	s28 =	simm.s32 $_size_execute0_lowered;
	s3 =	sadd.s32 s3, s5;
	[dreg:$0x0] =	wrdreg $0x0  }
0xa8: {  	s5 =	sshll.u32 s28, $0x1;
	[dreg:$0x2] =	wrdreg s3  }
0xa9: {  	[dreg:$0x3] =	wrdreg s5  }
0xaa: {  	[dreg:$0x4] =	wrdreg $0xC0  }
0xab: {  	_ =	task [dreg:s7], $0x5FFFF  }
0xac: {  	[dreg:$0x1] =	wrdreg $0xFFFFFFFF  }
0xad: {  	[dreg:$0x0] =	wrdreg $0x60  }
0xae: {  	[dreg:$0x2] =	wrdreg s2  }
0xaf: {  	[dreg:$0x3] =	wrdreg s24  }
0xb0: {  	[dreg:$0x4] =	wrdreg $0x90000  }
0xb1: {  	[dreg:$0x5] =	wrdreg $0x9  }
0xb2: {  	_ =	task.clear_ibuf [dreg:s7], $0x6FFFF;
	_ =	strace $0x90000046  }
0xb3: {  	s29 =	simm.s32 $0x9;
	_ =	strace $0x80000048  }
0xb4: {  	_ =	swait.ge [sflag:s29], $0x1  }
0xb5: {  	[sflag:s29] =	ssyncadd.s32 $0xFFFFFFFF  }
0xb6: {  	_ =	strace $0x90000048  }
0xb7: {  	_ =	sfence  }
0xb8: {  	s30 =	sld [smem:$0x0];
	_ =	sdelay $0x2  }
0xb9: {  	s31 =	sshll.u32 s1, $0xD;
	s1 =	sshrl.u32 s1, $0x2  }
0xba: {  	s3 =	sand.u32 $0x4000, s31;
	s1 =	sadd.s32 s1, s30  }
0xbb: {  	s0 =	sor.u32 s3, s0;
	s1 =	sshll.u32 s1, $0x11  }
0xbc: {  	s0 =	sor.u32 s1, s0  }
0xbd: {  	s0 =	sadd.s32 $0x8F2B, s0  }
0xbe: {  	[sflag:s0] =	ssyncadd.remote.s32 $0x1  }
0xbf: {  	_ =	sfence.sel $0xFFFF  }
0xc0: {  	[dreg:$0x0] =	wrdreg $0xFFFFFFFF;
	(pc) =	sbr.abs _section_cstart, $3  }
0xc1: {  	[dreg:$0x1] =	wrdreg $0xFFFFFFFF  }
0xc2: {  	_ =	task.clear_ibuf [dreg:s7], $0x2FFFF;
	_ =	strace $0x9FFFFFFF  }
0xc3: {  	(tm) =	ssettm $0x7FFFFFFF  }
tec
execute0_lowered:
.L_overlay_start_1:
0x0: {  	(tag) =	ssettag $0x1  }
0x1: {  	s1 =	rddreg [dreg:$0x0]  }
0x2: {  	s0 =	srdreg.scid;
	s5 =	rddreg [dreg:$0x1]  }
0x3: {  	s9 =	stileid.u32;
	s3 =	rddreg [dreg:$0x2];
	s4 =	simm.s32 $0x0  }
0x4: {  	s24 =	simm.s32 $0x880;
	s26 =	simm.s32 $0x100;
	s10 =	simm.s32 $0x900  }
0x5: {  	s11 =	simm.s32 $0x980;
	s13 =	simm.s32 $0x200;
	s14 =	simm.s32 $0x280  }
0x6: {  	s15 =	simm.s32 $0xA00;
	[smem:$0x7FF] =	sst s4;
	s8 =	sadd.s32 $0x15E00, s5  }
0x7: {  	s17 =	simm.s32 $0xA80;
	_ =	strace $0x80000047;
	[dreg:$0x17] =	wrdreg s8  }
0x8: {  	s18 =	simm.s32 $0x300;
	s28 =	simm.s32 $0xE80;
	[dreg:$0x6] =	wrdreg s24  }
0x9: {  	s29 =	simm.s32 $0x700;
	s30 =	simm.s32 $0x780;
	[dreg:$0x7] =	wrdreg s26  }
0xa: {  	s31 =	simm.s32 $0xF00;
	s6 =	smul.u32 $0x2800, s9;
	[dreg:$0x9] =	wrdreg s10  }
0xb: {  	p1 =	por $0x1, $0x1;
	s19 =	smul.u32 $0x27100, s9;
	[dreg:$0xa] =	wrdreg s11  }
0xc: {  	s0 =	sand.u32 $0x1, s0;
	s21 =	smul.u32 $0x4E400, s9;
	[dreg:$0xb] =	wrdreg s13  }
0xd: {  	s25 =	sshll.u32 s9, $0x6;
	s9 =	smul.u32 $0x4E200, s9;
	[dreg:$0xc] =	wrdreg s14  }
0xe: {  	s2 =	smul.u32 $0x28000, s0;
	s7 =	sshll.u32 s0, $0x7;
	[dreg:$0xd] =	wrdreg s15  }
0xf: {  	s0 =	ssub.s32 $0x2, s0;
	s8 =	simm.s32 $0x180;
	[dreg:$0xe] =	wrdreg s17  }
0x10: {  	s10 =	simm.s32 $0x5;
	s11 =	simm.s32 $0x800;
	[dreg:$0xf] =	wrdreg s18  }
0x11: {  	s13 =	simm.s32 $0x1000;
	s14 =	simm.s32 $0x5000;
	s15 =	simm.s32 $0x1  }
0x12: {  	s24 =	simm.s32 $0xC00;
	s17 =	simm.s32 $0x3;
	s18 =	simm.s32 $0x4  }
0x13: {  	s20 =	sshrl.u32 s0, $0x1;
	s23 =	sshrl.u32 s21, $0x2;
	[dreg:$0x8] =	wrdreg s8  }
0x14: {  	s12 =	sshrl.u32 s9, $0x2;
	s21 =	simm.s32 $0xB80;
	[dreg:$0x15] =	wrdreg s24  }
0x15: {  	s2 =	sadd.s32 s6, s2;
	s6 =	sor.u32 s7, s19;
	s0 =	ssub.s32 s0, s20  }
0x16: {  	s7 =	sadd.s32 s23, s3;
	s19 =	simm.s32 $0x380;
	[dreg:$0x12] =	wrdreg s21  }
0x17: {  	s20 =	simm.s32 $0xB00;
	s23 =	simm.s32 $0x480;
	[dreg:$0x10] =	wrdreg s19  }
0x18: {  	s2 =	sshrl.u32 s2, $0x3;
	s6 =	sshrl.u32 s6, $0x3;
	[dreg:$0x11] =	wrdreg s20  }
0x19: {  	s0 =	smax.u32 s0, $0x1;
	s16 =	sshrl.u32 s7, $0x3;
	[dreg:$0x14] =	wrdreg s23  }
0x1a: {  	s2 =	sadd.s32 s2, s5;
	s5 =	sadd.s32 s6, s5;
	[dreg:$0x1a] =	wrdreg s0  }
0x1b: {  	s6 =	sor.u32 $0x1C05, s25;
	[dreg:$0x1b] =	wrdreg s16;
	s25 =	simm.s32 $0xC80  }
0x1c: {  	s24 =	simm.s32 $0x680;
	s21 =	simm.s32 $0xD00;
	[dreg:$0x16] =	wrdreg s25  }
0x1d: {  	s19 =	simm.s32 $0x500;
	s22 =	sadd.s32 $0xBE00, s2;
	[dreg:$0x18] =	wrdreg s6  }
0x1e: {  	s20 =	simm.s32 $0x580;
	s2 =	sadd.s32 $0x1E00, s2;
	[dreg:$0x4] =	wrdreg s22  }
0x1f: {  	s23 =	simm.s32 $0x600;
	s5 =	sadd.s32 $0x18600, s5;
	[dreg:$0x5] =	wrdreg s2  }
0x20: {  	s16 =	simm.s32 $0x2;
	s0 =	simm.s32 $0x0;
	[dreg:$0x19] =	wrdreg s5  }
0x21: {  	s5 =	sadd.s32 s12, s3;
	s12 =	simm.s32 $0x80;
	s22 =	simm.s32 $0x400  }
0x22: {  	s2 =	simm.s32 $0xF80;
	[dreg:$0x13] =	wrdreg s22;
	s26 =	sshrl.u32 s5, $0x3  }
0x23: {  	s22 =	simm.s32 $0xD80;
	[dreg:$0x1c] =	wrdreg s26;
	s26 =	simm.s32 $0xE00  }
.LBB2_1:
0x24: {  	s5 =	rddreg [dreg:$0x17]  }
0x25: {  	s7 =	rddreg [dreg:$0x1b]  }
0x26: {  	[spmem:s7], [sflag:s6] =	dma.local [hbm:s5], $0x2720  }
0x27: {  	_ =	swait.ge [sflag:s10], $0x2720  }
0x28: {  	[sflag:s10] =	ssyncset.done $0x0  }
0x29: {  	p0 =	por $0x0, $0x0;
	[sflag:s10] =	ssyncadd.s32 $0xFFFFD8E0  }
0x2a: {  	s5 =	simm.s32 @p0 $0x3;
	p0 =	por p0, p0;
	[bflag:$0x0] =	sbarrier.arrive $0xFFFF  }
0x2b: {  	_ =	swait.ge @p0 [sflag:s5], $0x4000  }
0x2c: {  	[sflag:s5] =	ssyncset.done @p0 $0x0  }
0x2d: {  	[sflag:s5] =	ssyncadd.s32 @p0 $0xFFFFC000;
	s5 =	simm.s32 @p0 $0x4  }
0x2e: {  	_ =	swait.ge @p0 [sflag:s5], $0x4000  }
0x2f: {  	s6 =	rddreg [dreg:$0x5];
	[sflag:s5] =	ssyncset.done @p0 $0x0  }
0x30: {  	[sflag:s5] =	ssyncadd.s32 @p0 $0xFFFFC000;
	s7 =	sadd.s32 $0x0, s6  }
0x31: {  	[tilespmem:s4], [sflag:$0x5] =	stream.linear.gather [hbm4b:s7+s4], $0x800, $0x38;
	[tilespmem:$0x1C900] =	vst v63  }
0x32: {  	_ =	swait.ge [sflag:s10], $0x800  }
0x33: {  	s8 =	rddreg [dreg:$0x4];
	[sflag:s10] =	ssyncset.done $0x0  }
0x34: {  	[sflag:s10] =	ssyncadd.s32 $0xFFFFF800;
	s5 =	sadd.s32 $0x0, s8  }
0x35: {  	[tilespmem:s11], [sflag:$0x5] =	stream.linear.gather [hbm4b:s5+s4], $0x800, $0x38;
	[tilespmem:$0x1C900] =	vst v63  }
0x36: {  	_ =	swait.ge [sflag:s10], $0x800  }
0x37: {  	[sflag:s10] =	ssyncset.done $0x0  }
0x38: {  	[sflag:s10] =	ssyncadd.s32 $0xFFFFF800  }
0x39: {  	[tilespmem:s13], [sflag:$0x1] =	stream.indirect.gather [hbm4b:s1+s12], $0x80, s4, s12, $0xb8;
	[tilespmem:$0x1C900] =	vst v63  }
0x3a: {  	_ = 	snop  }
0x3b: {  	[tilespmem:s14], [sflag:$0x2] =	stream.indirect.gather [hbm4b:s1+s12], $0x80, s12, s12, $0xb8;
	[tilespmem:$0x1C900] =	vst v63  }
0x3c: {  	_ =	swait.ge [sflag:s15], $0x4000  }
0x3d: {  	[sflag:s15] =	ssyncset.done $0x0  }
0x3e: {  	[sflag:s15] =	ssyncadd.s32 $0xFFFFC000  }
0x3f: {  	[spmem:s3] =	stream.indirect.scatter.add.f32 [tilespmem:s13], [sflag:$0x3], $0x80, s11, s12, $0xb8;
	[tilespmem:$0x1C900] =	vst v63  }
0x40: {  	_ =	swait.ge [sflag:s16], $0x4000  }
0x41: {  	[sflag:s16] =	ssyncset.done $0x0  }
0x42: {  	s9 =	rddreg [dreg:$0x6];
	[sflag:s16] =	ssyncadd.s32 $0xFFFFC000  }
0x43: {  	[spmem:s3] =	stream.indirect.scatter.add.f32 [tilespmem:s14], [sflag:$0x4], $0x80, s9, s12, $0xb8;
	[tilespmem:$0x1C900] =	vst v63  }
0x44: {  	_ =	swait.ge [sflag:s17], $0x4000  }
0x45: {  	[sflag:s17] =	ssyncset.done $0x0  }
0x46: {  	[sflag:s17] =	ssyncadd.s32 $0xFFFFC000  }
0x47: {  	_ =	swait.ge [sflag:s18], $0x4000  }
0x48: {  	[sflag:s18] =	ssyncset.done $0x0  }
0x49: {  	s25 =	rddreg [dreg:$0x7];
	[sflag:s18] =	ssyncadd.s32 $0xFFFFC000  }
0x4a: {  	[tilespmem:s13], [sflag:$0x1] =	stream.indirect.gather [hbm4b:s1+s12], $0x80, s25, s12, $0xb8;
	[tilespmem:$0x1C900] =	vst v63  }
0x4b: {  	s6 =	rddreg [dreg:$0x8]  }
0x4c: {  	[tilespmem:s14], [sflag:$0x2] =	stream.indirect.gather [hbm4b:s1+s12], $0x80, s6, s12, $0xb8;
	[tilespmem:$0x1C900] =	vst v63  }
0x4d: {  	_ =	swait.ge [sflag:s15], $0x4000  }
0x4e: {  	[sflag:s15] =	ssyncset.done $0x0  }
0x4f: {  	s7 =	rddreg [dreg:$0x9];
	[sflag:s15] =	ssyncadd.s32 $0xFFFFC000  }
0x50: {  	[spmem:s3] =	stream.indirect.scatter.add.f32 [tilespmem:s13], [sflag:$0x3], $0x80, s7, s12, $0xb8;
	[tilespmem:$0x1C900] =	vst v63  }
0x51: {  	_ =	swait.ge [sflag:s16], $0x4000  }
0x52: {  	[sflag:s16] =	ssyncset.done $0x0  }
0x53: {  	s8 =	rddreg [dreg:$0xa];
	[sflag:s16] =	ssyncadd.s32 $0xFFFFC000  }
0x54: {  	[spmem:s3] =	stream.indirect.scatter.add.f32 [tilespmem:s14], [sflag:$0x4], $0x80, s8, s12, $0xb8;
	[tilespmem:$0x1C900] =	vst v63  }
0x55: {  	_ =	swait.ge [sflag:s17], $0x4000  }
0x56: {  	[sflag:s17] =	ssyncset.done $0x0  }
0x57: {  	[sflag:s17] =	ssyncadd.s32 $0xFFFFC000  }
0x58: {  	_ =	swait.ge [sflag:s18], $0x4000  }
0x59: {  	[sflag:s18] =	ssyncset.done $0x0  }
0x5a: {  	s9 =	rddreg [dreg:$0xb];
	[sflag:s18] =	ssyncadd.s32 $0xFFFFC000  }
0x5b: {  	[tilespmem:s13], [sflag:$0x1] =	stream.indirect.gather [hbm4b:s1+s12], $0x80, s9, s12, $0xb8;
	[tilespmem:$0x1C900] =	vst v63  }
0x5c: {  	s25 =	rddreg [dreg:$0xc]  }
0x5d: {  	[tilespmem:s14], [sflag:$0x2] =	stream.indirect.gather [hbm4b:s1+s12], $0x80, s25, s12, $0xb8;
	[tilespmem:$0x1C900] =	vst v63  }
0x5e: {  	_ =	swait.ge [sflag:s15], $0x4000  }
0x5f: {  	[sflag:s15] =	ssyncset.done $0x0  }
0x60: {  	s6 =	rddreg [dreg:$0xd];
	[sflag:s15] =	ssyncadd.s32 $0xFFFFC000  }
0x61: {  	[spmem:s3] =	stream.indirect.scatter.add.f32 [tilespmem:s13], [sflag:$0x3], $0x80, s6, s12, $0xb8;
	[tilespmem:$0x1C900] =	vst v63  }
0x62: {  	_ =	swait.ge [sflag:s16], $0x4000  }
0x63: {  	[sflag:s16] =	ssyncset.done $0x0  }
0x64: {  	s7 =	rddreg [dreg:$0xe];
	[sflag:s16] =	ssyncadd.s32 $0xFFFFC000  }
0x65: {  	[spmem:s3] =	stream.indirect.scatter.add.f32 [tilespmem:s14], [sflag:$0x4], $0x80, s7, s12, $0xb8;
	[tilespmem:$0x1C900] =	vst v63  }
0x66: {  	_ =	swait.ge [sflag:s17], $0x4000  }
0x67: {  	[sflag:s17] =	ssyncset.done $0x0  }
0x68: {  	[sflag:s17] =	ssyncadd.s32 $0xFFFFC000  }
0x69: {  	_ =	swait.ge [sflag:s18], $0x4000  }
0x6a: {  	[sflag:s18] =	ssyncset.done $0x0  }
0x6b: {  	s8 =	rddreg [dreg:$0xf];
	[sflag:s18] =	ssyncadd.s32 $0xFFFFC000  }
0x6c: {  	[tilespmem:s13], [sflag:$0x1] =	stream.indirect.gather [hbm4b:s1+s12], $0x80, s8, s12, $0xb8;
	[tilespmem:$0x1C900] =	vst v63  }
0x6d: {  	s9 =	rddreg [dreg:$0x10]  }
0x6e: {  	[tilespmem:s14], [sflag:$0x2] =	stream.indirect.gather [hbm4b:s1+s12], $0x80, s9, s12, $0xb8;
	[tilespmem:$0x1C900] =	vst v63  }
0x6f: {  	_ =	swait.ge [sflag:s15], $0x4000  }
0x70: {  	[sflag:s15] =	ssyncset.done $0x0  }
0x71: {  	s25 =	rddreg [dreg:$0x11];
	[sflag:s15] =	ssyncadd.s32 $0xFFFFC000  }
0x72: {  	[spmem:s3] =	stream.indirect.scatter.add.f32 [tilespmem:s13], [sflag:$0x3], $0x80, s25, s12, $0xb8;
	[tilespmem:$0x1C900] =	vst v63  }
0x73: {  	_ =	swait.ge [sflag:s16], $0x4000  }
0x74: {  	[sflag:s16] =	ssyncset.done $0x0  }
0x75: {  	s6 =	rddreg [dreg:$0x12];
	[sflag:s16] =	ssyncadd.s32 $0xFFFFC000  }
0x76: {  	[spmem:s3] =	stream.indirect.scatter.add.f32 [tilespmem:s14], [sflag:$0x4], $0x80, s6, s12, $0xb8;
	[tilespmem:$0x1C900] =	vst v63  }
0x77: {  	_ =	swait.ge [sflag:s17], $0x4000  }
0x78: {  	[sflag:s17] =	ssyncset.done $0x0  }
0x79: {  	[sflag:s17] =	ssyncadd.s32 $0xFFFFC000  }
0x7a: {  	_ =	swait.ge [sflag:s18], $0x4000  }
0x7b: {  	[sflag:s18] =	ssyncset.done $0x0  }
0x7c: {  	s7 =	rddreg [dreg:$0x13];
	[sflag:s18] =	ssyncadd.s32 $0xFFFFC000  }
0x7d: {  	[tilespmem:s13], [sflag:$0x1] =	stream.indirect.gather [hbm4b:s1+s12], $0x80, s7, s12, $0xb8;
	[tilespmem:$0x1C900] =	vst v63  }
0x7e: {  	s8 =	rddreg [dreg:$0x14]  }
0x7f: {  	[tilespmem:s14], [sflag:$0x2] =	stream.indirect.gather [hbm4b:s1+s12], $0x80, s8, s12, $0xb8;
	[tilespmem:$0x1C900] =	vst v63  }
0x80: {  	_ =	swait.ge [sflag:s15], $0x4000  }
0x81: {  	[sflag:s15] =	ssyncset.done $0x0  }
0x82: {  	s9 =	rddreg [dreg:$0x15];
	[sflag:s15] =	ssyncadd.s32 $0xFFFFC000  }
0x83: {  	[spmem:s3] =	stream.indirect.scatter.add.f32 [tilespmem:s13], [sflag:$0x3], $0x80, s9, s12, $0xb8;
	[tilespmem:$0x1C900] =	vst v63  }
0x84: {  	_ =	swait.ge [sflag:s16], $0x4000  }
0x85: {  	[sflag:s16] =	ssyncset.done $0x0  }
0x86: {  	s25 =	rddreg [dreg:$0x16];
	[sflag:s16] =	ssyncadd.s32 $0xFFFFC000  }
0x87: {  	[spmem:s3] =	stream.indirect.scatter.add.f32 [tilespmem:s14], [sflag:$0x4], $0x80, s25, s12, $0xb8;
	[tilespmem:$0x1C900] =	vst v63  }
0x88: {  	_ =	swait.ge [sflag:s17], $0x4000  }
0x89: {  	[sflag:s17] =	ssyncset.done $0x0  }
0x8a: {  	[sflag:s17] =	ssyncadd.s32 $0xFFFFC000  }
0x8b: {  	_ =	swait.ge [sflag:s18], $0x4000  }
0x8c: {  	[sflag:s18] =	ssyncset.done $0x0  }
0x8d: {  	[sflag:s18] =	ssyncadd.s32 $0xFFFFC000  }
0x8e: {  	[tilespmem:s13], [sflag:$0x1] =	stream.indirect.gather [hbm4b:s1+s12], $0x80, s19, s12, $0xb8;
	[tilespmem:$0x1C900] =	vst v63  }
0x8f: {  	_ = 	snop  }
0x90: {  	[tilespmem:s14], [sflag:$0x2] =	stream.indirect.gather [hbm4b:s1+s12], $0x80, s20, s12, $0xb8;
	[tilespmem:$0x1C900] =	vst v63  }
0x91: {  	_ =	swait.ge [sflag:s15], $0x4000  }
0x92: {  	[sflag:s15] =	ssyncset.done $0x0  }
0x93: {  	[sflag:s15] =	ssyncadd.s32 $0xFFFFC000  }
0x94: {  	[spmem:s3] =	stream.indirect.scatter.add.f32 [tilespmem:s13], [sflag:$0x3], $0x80, s21, s12, $0xb8;
	[tilespmem:$0x1C900] =	vst v63  }
0x95: {  	_ =	swait.ge [sflag:s16], $0x4000  }
0x96: {  	[sflag:s16] =	ssyncset.done $0x0  }
0x97: {  	[sflag:s16] =	ssyncadd.s32 $0xFFFFC000  }
0x98: {  	[spmem:s3] =	stream.indirect.scatter.add.f32 [tilespmem:s14], [sflag:$0x4], $0x80, s22, s12, $0xb8;
	[tilespmem:$0x1C900] =	vst v63  }
0x99: {  	_ =	swait.ge [sflag:s17], $0x4000  }
0x9a: {  	[sflag:s17] =	ssyncset.done $0x0  }
0x9b: {  	[sflag:s17] =	ssyncadd.s32 $0xFFFFC000  }
0x9c: {  	_ =	swait.ge [sflag:s18], $0x4000  }
0x9d: {  	[sflag:s18] =	ssyncset.done $0x0  }
0x9e: {  	[sflag:s18] =	ssyncadd.s32 $0xFFFFC000  }
0x9f: {  	[tilespmem:s13], [sflag:$0x1] =	stream.indirect.gather [hbm4b:s1+s12], $0x80, s23, s12, $0xb8;
	[tilespmem:$0x1C900] =	vst v63  }
0xa0: {  	_ = 	snop  }
0xa1: {  	[tilespmem:s14], [sflag:$0x2] =	stream.indirect.gather [hbm4b:s1+s12], $0x80, s24, s12, $0xb8;
	[tilespmem:$0x1C900] =	vst v63  }
0xa2: {  	_ =	swait.ge [sflag:s15], $0x4000  }
0xa3: {  	[sflag:s15] =	ssyncset.done $0x0  }
0xa4: {  	[sflag:s15] =	ssyncadd.s32 $0xFFFFC000  }
0xa5: {  	[spmem:s3] =	stream.indirect.scatter.add.f32 [tilespmem:s13], [sflag:$0x3], $0x80, s26, s12, $0xb8;
	[tilespmem:$0x1C900] =	vst v63  }
0xa6: {  	_ =	swait.ge [sflag:s16], $0x4000  }
0xa7: {  	[sflag:s16] =	ssyncset.done $0x0  }
0xa8: {  	[sflag:s16] =	ssyncadd.s32 $0xFFFFC000  }
0xa9: {  	[spmem:s3] =	stream.indirect.scatter.add.f32 [tilespmem:s14], [sflag:$0x4], $0x80, s28, s12, $0xb8;
	[tilespmem:$0x1C900] =	vst v63  }
0xaa: {  	_ =	swait.ge [sflag:s17], $0x4000  }
0xab: {  	[sflag:s17] =	ssyncset.done $0x0  }
0xac: {  	[sflag:s17] =	ssyncadd.s32 $0xFFFFC000  }
0xad: {  	_ =	swait.ge [sflag:s18], $0x4000  }
0xae: {  	[sflag:s18] =	ssyncset.done $0x0  }
0xaf: {  	[sflag:s18] =	ssyncadd.s32 $0xFFFFC000  }
0xb0: {  	[tilespmem:s13], [sflag:$0x1] =	stream.indirect.gather [hbm4b:s1+s12], $0x80, s29, s12, $0xb8;
	[tilespmem:$0x1C900] =	vst v63  }
0xb1: {  	_ = 	snop  }
0xb2: {  	[tilespmem:s14], [sflag:$0x2] =	stream.indirect.gather [hbm4b:s1+s12], $0x80, s30, s12, $0xb8;
	[tilespmem:$0x1C900] =	vst v63  }
0xb3: {  	_ =	swait.ge [sflag:s15], $0x4000  }
0xb4: {  	[sflag:s15] =	ssyncset.done $0x0  }
0xb5: {  	[sflag:s15] =	ssyncadd.s32 $0xFFFFC000  }
0xb6: {  	[spmem:s3] =	stream.indirect.scatter.add.f32 [tilespmem:s13], [sflag:$0x3], $0x80, s31, s12, $0xb8;
	[tilespmem:$0x1C900] =	vst v63  }
0xb7: {  	_ =	swait.ge [sflag:s16], $0x4000  }
0xb8: {  	p0 =	por p1, p1;
	s5 =	simm.s32 $0x100;
	[sflag:s16] =	ssyncset.done $0x0  }
0xb9: {  	s7 =	simm.s32 @p1 $0x3;
	s8 =	simm.s32 $0x200;
	[sflag:s16] =	ssyncadd.s32 $0xFFFFC000  }
.LBB2_2:
0xba: {  	[spmem:s3] =	stream.indirect.scatter.add.f32 [tilespmem:s14], [sflag:$0x4], $0x80, s2, s12, $0xb8;
	[tilespmem:$0x1C900] =	vst v63  }
0xbb: {  	_ =	swait.ge @p0 [sflag:s7], $0x4000  }
0xbc: {  	[sflag:s7] =	ssyncset.done @p0 $0x0  }
0xbd: {  	s6 =	simm.s32 @p0 $0x4;
	[sflag:s7] =	ssyncadd.s32 @p0 $0xFFFFC000  }
0xbe: {  	s25 =	simm.s32 @p1 $0x3;
	_ =	swait.ge @p0 [sflag:s6], $0x4000  }
0xbf: {  	s7 =	smov.u32 s25;
	s25 =	rddreg [dreg:$0x5];
	[sflag:s6] =	ssyncset.done @p0 $0x0  }
0xc0: {  	[sflag:s6] =	ssyncadd.s32 @p0 $0xFFFFC000;
	s25 =	sadd.s32 s5, s25  }
0xc1: {  	[tilespmem:s4], [sflag:$0x5] =	stream.linear.gather [hbm4b:s25+s4], $0x800, $0x38;
	[tilespmem:$0x1C900] =	vst v63  }
0xc2: {  	_ =	swait.ge [sflag:s10], $0x800  }
0xc3: {  	s25 =	rddreg [dreg:$0x4];
	[sflag:s10] =	ssyncset.done $0x0  }
0xc4: {  	[sflag:s10] =	ssyncadd.s32 $0xFFFFF800;
	s6 =	sadd.s32 s5, s25  }
0xc5: {  	[tilespmem:s11], [sflag:$0x5] =	stream.linear.gather [hbm4b:s6+s4], $0x800, $0x38;
	[tilespmem:$0x1C900] =	vst v63  }
0xc6: {  	_ =	swait.ge [sflag:s10], $0x800  }
0xc7: {  	[sflag:s10] =	ssyncset.done $0x0  }
0xc8: {  	[sflag:s10] =	ssyncadd.s32 $0xFFFFF800  }
0xc9: {  	[tilespmem:s13], [sflag:$0x1] =	stream.indirect.gather [hbm4b:s1+s12], $0x80, s4, s12, $0xb8;
	[tilespmem:$0x1C900] =	vst v63  }
0xca: {  	_ = 	snop  }
0xcb: {  	[tilespmem:s14], [sflag:$0x2] =	stream.indirect.gather [hbm4b:s1+s12], $0x80, s12, s12, $0xb8;
	[tilespmem:$0x1C900] =	vst v63  }
0xcc: {  	_ =	swait.ge [sflag:s15], $0x4000  }
0xcd: {  	[sflag:s15] =	ssyncset.done $0x0  }
0xce: {  	[sflag:s15] =	ssyncadd.s32 $0xFFFFC000  }
0xcf: {  	[spmem:s3] =	stream.indirect.scatter.add.f32 [tilespmem:s13], [sflag:$0x3], $0x80, s11, s12, $0xb8;
	[tilespmem:$0x1C900] =	vst v63  }
0xd0: {  	_ =	swait.ge [sflag:s16], $0x4000  }
0xd1: {  	[sflag:s16] =	ssyncset.done $0x0  }
0xd2: {  	s25 =	rddreg [dreg:$0x6];
	[sflag:s16] =	ssyncadd.s32 $0xFFFFC000  }
0xd3: {  	[spmem:s3] =	stream.indirect.scatter.add.f32 [tilespmem:s14], [sflag:$0x4], $0x80, s25, s12, $0xb8;
	[tilespmem:$0x1C900] =	vst v63  }
0xd4: {  	_ =	swait.ge [sflag:s17], $0x4000  }
0xd5: {  	[sflag:s17] =	ssyncset.done $0x0  }
0xd6: {  	[sflag:s17] =	ssyncadd.s32 $0xFFFFC000  }
0xd7: {  	_ =	swait.ge [sflag:s18], $0x4000  }
0xd8: {  	s9 =	smov.u32 s8;
	[sflag:s18] =	ssyncset.done $0x0  }
0xd9: {  	s5 =	smov.u32 s9;
	s9 =	rddreg [dreg:$0x7];
	[sflag:s18] =	ssyncadd.s32 $0xFFFFC000  }
0xda: {  	[tilespmem:s13], [sflag:$0x1] =	stream.indirect.gather [hbm4b:s1+s12], $0x80, s9, s12, $0xb8;
	[tilespmem:$0x1C900] =	vst v63  }
0xdb: {  	s25 =	rddreg [dreg:$0x8]  }
0xdc: {  	[tilespmem:s14], [sflag:$0x2] =	stream.indirect.gather [hbm4b:s1+s12], $0x80, s25, s12, $0xb8;
	[tilespmem:$0x1C900] =	vst v63  }
0xdd: {  	_ =	swait.ge [sflag:s15], $0x4000  }
0xde: {  	[sflag:s15] =	ssyncset.done $0x0  }
0xdf: {  	s9 =	rddreg [dreg:$0x9];
	[sflag:s15] =	ssyncadd.s32 $0xFFFFC000  }
0xe0: {  	[spmem:s3] =	stream.indirect.scatter.add.f32 [tilespmem:s13], [sflag:$0x3], $0x80, s9, s12, $0xb8;
	[tilespmem:$0x1C900] =	vst v63  }
0xe1: {  	_ =	swait.ge [sflag:s16], $0x4000  }
0xe2: {  	[sflag:s16] =	ssyncset.done $0x0  }
0xe3: {  	s25 =	rddreg [dreg:$0xa];
	[sflag:s16] =	ssyncadd.s32 $0xFFFFC000  }
0xe4: {  	[spmem:s3] =	stream.indirect.scatter.add.f32 [tilespmem:s14], [sflag:$0x4], $0x80, s25, s12, $0xb8;
	[tilespmem:$0x1C900] =	vst v63  }
0xe5: {  	_ =	swait.ge [sflag:s17], $0x4000  }
0xe6: {  	[sflag:s17] =	ssyncset.done $0x0  }
0xe7: {  	[sflag:s17] =	ssyncadd.s32 $0xFFFFC000  }
0xe8: {  	_ =	swait.ge [sflag:s18], $0x4000  }
0xe9: {  	[sflag:s18] =	ssyncset.done $0x0  }
0xea: {  	s9 =	rddreg [dreg:$0xb];
	[sflag:s18] =	ssyncadd.s32 $0xFFFFC000  }
0xeb: {  	[tilespmem:s13], [sflag:$0x1] =	stream.indirect.gather [hbm4b:s1+s12], $0x80, s9, s12, $0xb8;
	[tilespmem:$0x1C900] =	vst v63  }
0xec: {  	s25 =	rddreg [dreg:$0xc]  }
0xed: {  	[tilespmem:s14], [sflag:$0x2] =	stream.indirect.gather [hbm4b:s1+s12], $0x80, s25, s12, $0xb8;
	[tilespmem:$0x1C900] =	vst v63  }
0xee: {  	_ =	swait.ge [sflag:s15], $0x4000  }
0xef: {  	[sflag:s15] =	ssyncset.done $0x0  }
0xf0: {  	s9 =	rddreg [dreg:$0xd];
	[sflag:s15] =	ssyncadd.s32 $0xFFFFC000  }
0xf1: {  	[spmem:s3] =	stream.indirect.scatter.add.f32 [tilespmem:s13], [sflag:$0x3], $0x80, s9, s12, $0xb8;
	[tilespmem:$0x1C900] =	vst v63  }
0xf2: {  	_ =	swait.ge [sflag:s16], $0x4000  }
0xf3: {  	[sflag:s16] =	ssyncset.done $0x0  }
0xf4: {  	s25 =	rddreg [dreg:$0xe];
	[sflag:s16] =	ssyncadd.s32 $0xFFFFC000  }
0xf5: {  	[spmem:s3] =	stream.indirect.scatter.add.f32 [tilespmem:s14], [sflag:$0x4], $0x80, s25, s12, $0xb8;
	[tilespmem:$0x1C900] =	vst v63  }
0xf6: {  	_ =	swait.ge [sflag:s17], $0x4000  }
0xf7: {  	[sflag:s17] =	ssyncset.done $0x0  }
0xf8: {  	[sflag:s17] =	ssyncadd.s32 $0xFFFFC000  }
0xf9: {  	_ =	swait.ge [sflag:s18], $0x4000  }
0xfa: {  	[sflag:s18] =	ssyncset.done $0x0  }
0xfb: {  	s9 =	rddreg [dreg:$0xf];
	[sflag:s18] =	ssyncadd.s32 $0xFFFFC000  }
0xfc: {  	[tilespmem:s13], [sflag:$0x1] =	stream.indirect.gather [hbm4b:s1+s12], $0x80, s9, s12, $0xb8;
	[tilespmem:$0x1C900] =	vst v63  }
0xfd: {  	s25 =	rddreg [dreg:$0x10]  }
0xfe: {  	[tilespmem:s14], [sflag:$0x2] =	stream.indirect.gather [hbm4b:s1+s12], $0x80, s25, s12, $0xb8;
	[tilespmem:$0x1C900] =	vst v63  }
0xff: {  	_ =	swait.ge [sflag:s15], $0x4000  }
0x100: {  	[sflag:s15] =	ssyncset.done $0x0  }
0x101: {  	s9 =	rddreg [dreg:$0x11];
	[sflag:s15] =	ssyncadd.s32 $0xFFFFC000  }
0x102: {  	[spmem:s3] =	stream.indirect.scatter.add.f32 [tilespmem:s13], [sflag:$0x3], $0x80, s9, s12, $0xb8;
	[tilespmem:$0x1C900] =	vst v63  }
0x103: {  	_ =	swait.ge [sflag:s16], $0x4000  }
0x104: {  	[sflag:s16] =	ssyncset.done $0x0  }
0x105: {  	s25 =	rddreg [dreg:$0x12];
	[sflag:s16] =	ssyncadd.s32 $0xFFFFC000  }
0x106: {  	[spmem:s3] =	stream.indirect.scatter.add.f32 [tilespmem:s14], [sflag:$0x4], $0x80, s25, s12, $0xb8;
	[tilespmem:$0x1C900] =	vst v63  }
0x107: {  	_ =	swait.ge [sflag:s17], $0x4000  }
0x108: {  	[sflag:s17] =	ssyncset.done $0x0  }
0x109: {  	[sflag:s17] =	ssyncadd.s32 $0xFFFFC000  }
0x10a: {  	_ =	swait.ge [sflag:s18], $0x4000  }
0x10b: {  	[sflag:s18] =	ssyncset.done $0x0  }
0x10c: {  	s9 =	rddreg [dreg:$0x13];
	[sflag:s18] =	ssyncadd.s32 $0xFFFFC000  }
0x10d: {  	[tilespmem:s13], [sflag:$0x1] =	stream.indirect.gather [hbm4b:s1+s12], $0x80, s9, s12, $0xb8;
	[tilespmem:$0x1C900] =	vst v63  }
0x10e: {  	s25 =	rddreg [dreg:$0x14]  }
0x10f: {  	[tilespmem:s14], [sflag:$0x2] =	stream.indirect.gather [hbm4b:s1+s12], $0x80, s25, s12, $0xb8;
	[tilespmem:$0x1C900] =	vst v63  }
0x110: {  	_ =	swait.ge [sflag:s15], $0x4000  }
0x111: {  	[sflag:s15] =	ssyncset.done $0x0  }
0x112: {  	s9 =	rddreg [dreg:$0x15];
	[sflag:s15] =	ssyncadd.s32 $0xFFFFC000  }
0x113: {  	[spmem:s3] =	stream.indirect.scatter.add.f32 [tilespmem:s13], [sflag:$0x3], $0x80, s9, s12, $0xb8;
	[tilespmem:$0x1C900] =	vst v63  }
0x114: {  	_ =	swait.ge [sflag:s16], $0x4000  }
0x115: {  	[sflag:s16] =	ssyncset.done $0x0  }
0x116: {  	s25 =	rddreg [dreg:$0x16];
	[sflag:s16] =	ssyncadd.s32 $0xFFFFC000  }
0x117: {  	[spmem:s3] =	stream.indirect.scatter.add.f32 [tilespmem:s14], [sflag:$0x4], $0x80, s25, s12, $0xb8;
	[tilespmem:$0x1C900] =	vst v63  }
0x118: {  	_ =	swait.ge [sflag:s17], $0x4000  }
0x119: {  	[sflag:s17] =	ssyncset.done $0x0  }
0x11a: {  	[sflag:s17] =	ssyncadd.s32 $0xFFFFC000  }
0x11b: {  	_ =	swait.ge [sflag:s18], $0x4000  }
0x11c: {  	[sflag:s18] =	ssyncset.done $0x0  }
0x11d: {  	[sflag:s18] =	ssyncadd.s32 $0xFFFFC000  }
0x11e: {  	[tilespmem:s13], [sflag:$0x1] =	stream.indirect.gather [hbm4b:s1+s12], $0x80, s19, s12, $0xb8;
	[tilespmem:$0x1C900] =	vst v63  }
0x11f: {  	_ = 	snop  }
0x120: {  	[tilespmem:s14], [sflag:$0x2] =	stream.indirect.gather [hbm4b:s1+s12], $0x80, s20, s12, $0xb8;
	[tilespmem:$0x1C900] =	vst v63  }
0x121: {  	_ =	swait.ge [sflag:s15], $0x4000  }
0x122: {  	[sflag:s15] =	ssyncset.done $0x0  }
0x123: {  	[sflag:s15] =	ssyncadd.s32 $0xFFFFC000  }
0x124: {  	[spmem:s3] =	stream.indirect.scatter.add.f32 [tilespmem:s13], [sflag:$0x3], $0x80, s21, s12, $0xb8;
	[tilespmem:$0x1C900] =	vst v63  }
0x125: {  	_ =	swait.ge [sflag:s16], $0x4000  }
0x126: {  	[sflag:s16] =	ssyncset.done $0x0  }
0x127: {  	[sflag:s16] =	ssyncadd.s32 $0xFFFFC000  }
0x128: {  	[spmem:s3] =	stream.indirect.scatter.add.f32 [tilespmem:s14], [sflag:$0x4], $0x80, s22, s12, $0xb8;
	[tilespmem:$0x1C900] =	vst v63  }
0x129: {  	_ =	swait.ge [sflag:s17], $0x4000  }
0x12a: {  	[sflag:s17] =	ssyncset.done $0x0  }
0x12b: {  	[sflag:s17] =	ssyncadd.s32 $0xFFFFC000  }
0x12c: {  	_ =	swait.ge [sflag:s18], $0x4000  }
0x12d: {  	[sflag:s18] =	ssyncset.done $0x0  }
0x12e: {  	[sflag:s18] =	ssyncadd.s32 $0xFFFFC000  }
0x12f: {  	[tilespmem:s13], [sflag:$0x1] =	stream.indirect.gather [hbm4b:s1+s12], $0x80, s23, s12, $0xb8;
	[tilespmem:$0x1C900] =	vst v63  }
0x130: {  	_ = 	snop  }
0x131: {  	[tilespmem:s14], [sflag:$0x2] =	stream.indirect.gather [hbm4b:s1+s12], $0x80, s24, s12, $0xb8;
	[tilespmem:$0x1C900] =	vst v63  }
0x132: {  	_ =	swait.ge [sflag:s15], $0x4000  }
0x133: {  	[sflag:s15] =	ssyncset.done $0x0  }
0x134: {  	[sflag:s15] =	ssyncadd.s32 $0xFFFFC000  }
0x135: {  	[spmem:s3] =	stream.indirect.scatter.add.f32 [tilespmem:s13], [sflag:$0x3], $0x80, s26, s12, $0xb8;
	[tilespmem:$0x1C900] =	vst v63  }
0x136: {  	_ =	swait.ge [sflag:s16], $0x4000  }
0x137: {  	[sflag:s16] =	ssyncset.done $0x0  }
0x138: {  	[sflag:s16] =	ssyncadd.s32 $0xFFFFC000  }
0x139: {  	[spmem:s3] =	stream.indirect.scatter.add.f32 [tilespmem:s14], [sflag:$0x4], $0x80, s28, s12, $0xb8;
	[tilespmem:$0x1C900] =	vst v63  }
0x13a: {  	_ =	swait.ge [sflag:s17], $0x4000  }
0x13b: {  	[sflag:s17] =	ssyncset.done $0x0  }
0x13c: {  	[sflag:s17] =	ssyncadd.s32 $0xFFFFC000  }
0x13d: {  	_ =	swait.ge [sflag:s18], $0x4000  }
0x13e: {  	[sflag:s18] =	ssyncset.done $0x0  }
0x13f: {  	[sflag:s18] =	ssyncadd.s32 $0xFFFFC000  }
0x140: {  	[tilespmem:s13], [sflag:$0x1] =	stream.indirect.gather [hbm4b:s1+s12], $0x80, s29, s12, $0xb8;
	[tilespmem:$0x1C900] =	vst v63  }
0x141: {  	_ = 	snop  }
0x142: {  	[tilespmem:s14], [sflag:$0x2] =	stream.indirect.gather [hbm4b:s1+s12], $0x80, s30, s12, $0xb8;
	[tilespmem:$0x1C900] =	vst v63  }
0x143: {  	s8 =	sadd.s32 $0x100, s8;
	_ =	swait.ge [sflag:s15], $0x4000  }
0x144: {  	p2 =	sne.s32 s8, $0x500;
	[sflag:s15] =	ssyncset.done $0x0  }
.Ltmp0:
0x145: {  	[sflag:s15] =	ssyncadd.s32 $0xFFFFC000;
	(pc) =	sbr.rel @p2 .LBB2_2-.Ltmp0, $4  }
0x146: {  	[spmem:s3] =	stream.indirect.scatter.add.f32 [tilespmem:s13], [sflag:$0x3], $0x80, s31, s12, $0xb8;
	[tilespmem:$0x1C900] =	vst v63  }
0x147: {  	_ =	swait.ge [sflag:s16], $0x4000  }
0x148: {  	[sflag:s16] =	ssyncset.done $0x0  }
0x149: {  	p0 =	por p1, p1;
	[sflag:s16] =	ssyncadd.s32 $0xFFFFC000  }
0x14a: {  	[spmem:s3] =	stream.indirect.scatter.add.f32 [tilespmem:s14], [sflag:$0x4], $0x80, s2, s12, $0xb8;
	[tilespmem:$0x1C900] =	vst v63  }
0x14b: {  	_ =	swait.ge @p0 [sflag:s7], $0x4000  }
0x14c: {  	[sflag:s7] =	ssyncset.done @p0 $0x0  }
0x14d: {  	s6 =	simm.s32 @p0 $0x4;
	[sflag:s7] =	ssyncadd.s32 @p0 $0xFFFFC000  }
0x14e: {  	_ =	swait.ge @p0 [sflag:s6], $0x4000  }
0x14f: {  	s8 =	rddreg [dreg:$0x5];
	[sflag:s6] =	ssyncset.done @p0 $0x0  }
0x150: {  	[sflag:s6] =	ssyncadd.s32 @p0 $0xFFFFC000;
	s9 =	sadd.s32 s5, s8  }
0x151: {  	[tilespmem:s4], [sflag:$0x5] =	stream.linear.gather [hbm4b:s9+s4], $0x800, $0x38;
	[tilespmem:$0x1C900] =	vst v63  }
0x152: {  	_ =	swait.ge [sflag:s10], $0x800  }
0x153: {  	s25 =	rddreg [dreg:$0x4];
	[sflag:s10] =	ssyncset.done $0x0  }
0x154: {  	[sflag:s10] =	ssyncadd.s32 $0xFFFFF800;
	s7 =	sadd.s32 s5, s25  }
0x155: {  	[tilespmem:s11], [sflag:$0x5] =	stream.linear.gather [hbm4b:s7+s4], $0x800, $0x38;
	[tilespmem:$0x1C900] =	vst v63  }
0x156: {  	_ =	swait.ge [sflag:s10], $0x800  }
0x157: {  	[sflag:s10] =	ssyncset.done $0x0  }
0x158: {  	[sflag:s10] =	ssyncadd.s32 $0xFFFFF800  }
0x159: {  	[tilespmem:s13], [sflag:$0x1] =	stream.indirect.gather [hbm4b:s1+s12], $0x80, s4, s12, $0xb8;
	[tilespmem:$0x1C900] =	vst v63  }
0x15a: {  	_ = 	snop  }
0x15b: {  	[tilespmem:s14], [sflag:$0x2] =	stream.indirect.gather [hbm4b:s1+s12], $0x80, s12, s12, $0xb8;
	[tilespmem:$0x1C900] =	vst v63  }
0x15c: {  	_ =	swait.ge [sflag:s15], $0x4000  }
0x15d: {  	[sflag:s15] =	ssyncset.done $0x0  }
0x15e: {  	[sflag:s15] =	ssyncadd.s32 $0xFFFFC000  }
0x15f: {  	[spmem:s3] =	stream.indirect.scatter.add.f32 [tilespmem:s13], [sflag:$0x3], $0x80, s11, s12, $0xb8;
	[tilespmem:$0x1C900] =	vst v63  }
0x160: {  	_ =	swait.ge [sflag:s16], $0x4000  }
0x161: {  	[sflag:s16] =	ssyncset.done $0x0  }
0x162: {  	s8 =	rddreg [dreg:$0x6];
	[sflag:s16] =	ssyncadd.s32 $0xFFFFC000  }
0x163: {  	[spmem:s3] =	stream.indirect.scatter.add.f32 [tilespmem:s14], [sflag:$0x4], $0x80, s8, s12, $0xb8;
	[tilespmem:$0x1C900] =	vst v63  }
0x164: {  	_ =	swait.ge [sflag:s17], $0x4000  }
0x165: {  	[sflag:s17] =	ssyncset.done $0x0  }
0x166: {  	[sflag:s17] =	ssyncadd.s32 $0xFFFFC000  }
0x167: {  	_ =	swait.ge [sflag:s18], $0x4000  }
0x168: {  	[sflag:s18] =	ssyncset.done $0x0  }
0x169: {  	s9 =	rddreg [dreg:$0x7];
	[sflag:s18] =	ssyncadd.s32 $0xFFFFC000  }
0x16a: {  	[tilespmem:s13], [sflag:$0x1] =	stream.indirect.gather [hbm4b:s1+s12], $0x80, s9, s12, $0xb8;
	[tilespmem:$0x1C900] =	vst v63  }
0x16b: {  	s25 =	rddreg [dreg:$0x8]  }
0x16c: {  	[tilespmem:s14], [sflag:$0x2] =	stream.indirect.gather [hbm4b:s1+s12], $0x80, s25, s12, $0xb8;
	[tilespmem:$0x1C900] =	vst v63  }
0x16d: {  	_ =	swait.ge [sflag:s15], $0x4000  }
0x16e: {  	[sflag:s15] =	ssyncset.done $0x0  }
0x16f: {  	s7 =	rddreg [dreg:$0x9];
	[sflag:s15] =	ssyncadd.s32 $0xFFFFC000  }
0x170: {  	[spmem:s3] =	stream.indirect.scatter.add.f32 [tilespmem:s13], [sflag:$0x3], $0x80, s7, s12, $0xb8;
	[tilespmem:$0x1C900] =	vst v63  }
0x171: {  	_ =	swait.ge [sflag:s16], $0x4000  }
0x172: {  	[sflag:s16] =	ssyncset.done $0x0  }
0x173: {  	s8 =	rddreg [dreg:$0xa];
	[sflag:s16] =	ssyncadd.s32 $0xFFFFC000  }
0x174: {  	[spmem:s3] =	stream.indirect.scatter.add.f32 [tilespmem:s14], [sflag:$0x4], $0x80, s8, s12, $0xb8;
	[tilespmem:$0x1C900] =	vst v63  }
0x175: {  	_ =	swait.ge [sflag:s17], $0x4000  }
0x176: {  	[sflag:s17] =	ssyncset.done $0x0  }
0x177: {  	[sflag:s17] =	ssyncadd.s32 $0xFFFFC000  }
0x178: {  	_ =	swait.ge [sflag:s18], $0x4000  }
0x179: {  	[sflag:s18] =	ssyncset.done $0x0  }
0x17a: {  	s9 =	rddreg [dreg:$0xb];
	[sflag:s18] =	ssyncadd.s32 $0xFFFFC000  }
0x17b: {  	[tilespmem:s13], [sflag:$0x1] =	stream.indirect.gather [hbm4b:s1+s12], $0x80, s9, s12, $0xb8;
	[tilespmem:$0x1C900] =	vst v63  }
0x17c: {  	s25 =	rddreg [dreg:$0xc]  }
0x17d: {  	[tilespmem:s14], [sflag:$0x2] =	stream.indirect.gather [hbm4b:s1+s12], $0x80, s25, s12, $0xb8;
	[tilespmem:$0x1C900] =	vst v63  }
0x17e: {  	_ =	swait.ge [sflag:s15], $0x4000  }
0x17f: {  	[sflag:s15] =	ssyncset.done $0x0  }
0x180: {  	s7 =	rddreg [dreg:$0xd];
	[sflag:s15] =	ssyncadd.s32 $0xFFFFC000  }
0x181: {  	[spmem:s3] =	stream.indirect.scatter.add.f32 [tilespmem:s13], [sflag:$0x3], $0x80, s7, s12, $0xb8;
	[tilespmem:$0x1C900] =	vst v63  }
0x182: {  	_ =	swait.ge [sflag:s16], $0x4000  }
0x183: {  	[sflag:s16] =	ssyncset.done $0x0  }
0x184: {  	s8 =	rddreg [dreg:$0xe];
	[sflag:s16] =	ssyncadd.s32 $0xFFFFC000  }
0x185: {  	[spmem:s3] =	stream.indirect.scatter.add.f32 [tilespmem:s14], [sflag:$0x4], $0x80, s8, s12, $0xb8;
	[tilespmem:$0x1C900] =	vst v63  }
0x186: {  	_ =	swait.ge [sflag:s17], $0x4000  }
0x187: {  	[sflag:s17] =	ssyncset.done $0x0  }
0x188: {  	[sflag:s17] =	ssyncadd.s32 $0xFFFFC000  }
0x189: {  	_ =	swait.ge [sflag:s18], $0x4000  }
0x18a: {  	[sflag:s18] =	ssyncset.done $0x0  }
0x18b: {  	s9 =	rddreg [dreg:$0xf];
	[sflag:s18] =	ssyncadd.s32 $0xFFFFC000  }
0x18c: {  	[tilespmem:s13], [sflag:$0x1] =	stream.indirect.gather [hbm4b:s1+s12], $0x80, s9, s12, $0xb8;
	[tilespmem:$0x1C900] =	vst v63  }
0x18d: {  	s25 =	rddreg [dreg:$0x10]  }
0x18e: {  	[tilespmem:s14], [sflag:$0x2] =	stream.indirect.gather [hbm4b:s1+s12], $0x80, s25, s12, $0xb8;
	[tilespmem:$0x1C900] =	vst v63  }
0x18f: {  	_ =	swait.ge [sflag:s15], $0x4000  }
0x190: {  	[sflag:s15] =	ssyncset.done $0x0  }
0x191: {  	s6 =	rddreg [dreg:$0x11];
	[sflag:s15] =	ssyncadd.s32 $0xFFFFC000  }
0x192: {  	[spmem:s3] =	stream.indirect.scatter.add.f32 [tilespmem:s13], [sflag:$0x3], $0x80, s6, s12, $0xb8;
	[tilespmem:$0x1C900] =	vst v63  }
0x193: {  	_ =	swait.ge [sflag:s16], $0x4000  }
0x194: {  	[sflag:s16] =	ssyncset.done $0x0  }
0x195: {  	s7 =	rddreg [dreg:$0x12];
	[sflag:s16] =	ssyncadd.s32 $0xFFFFC000  }
0x196: {  	[spmem:s3] =	stream.indirect.scatter.add.f32 [tilespmem:s14], [sflag:$0x4], $0x80, s7, s12, $0xb8;
	[tilespmem:$0x1C900] =	vst v63  }
0x197: {  	_ =	swait.ge [sflag:s17], $0x4000  }
0x198: {  	[sflag:s17] =	ssyncset.done $0x0  }
0x199: {  	[sflag:s17] =	ssyncadd.s32 $0xFFFFC000  }
0x19a: {  	_ =	swait.ge [sflag:s18], $0x4000  }
0x19b: {  	[sflag:s18] =	ssyncset.done $0x0  }
0x19c: {  	s8 =	rddreg [dreg:$0x13];
	[sflag:s18] =	ssyncadd.s32 $0xFFFFC000  }
0x19d: {  	[tilespmem:s13], [sflag:$0x1] =	stream.indirect.gather [hbm4b:s1+s12], $0x80, s8, s12, $0xb8;
	[tilespmem:$0x1C900] =	vst v63  }
0x19e: {  	s9 =	rddreg [dreg:$0x14]  }
0x19f: {  	[tilespmem:s14], [sflag:$0x2] =	stream.indirect.gather [hbm4b:s1+s12], $0x80, s9, s12, $0xb8;
	[tilespmem:$0x1C900] =	vst v63  }
0x1a0: {  	_ =	swait.ge [sflag:s15], $0x4000  }
0x1a1: {  	[sflag:s15] =	ssyncset.done $0x0  }
0x1a2: {  	s25 =	rddreg [dreg:$0x15];
	[sflag:s15] =	ssyncadd.s32 $0xFFFFC000  }
0x1a3: {  	[spmem:s3] =	stream.indirect.scatter.add.f32 [tilespmem:s13], [sflag:$0x3], $0x80, s25, s12, $0xb8;
	[tilespmem:$0x1C900] =	vst v63  }
0x1a4: {  	_ =	swait.ge [sflag:s16], $0x4000  }
0x1a5: {  	[sflag:s16] =	ssyncset.done $0x0  }
0x1a6: {  	s6 =	rddreg [dreg:$0x16];
	[sflag:s16] =	ssyncadd.s32 $0xFFFFC000  }
0x1a7: {  	[spmem:s3] =	stream.indirect.scatter.add.f32 [tilespmem:s14], [sflag:$0x4], $0x80, s6, s12, $0xb8;
	[tilespmem:$0x1C900] =	vst v63  }
0x1a8: {  	_ =	swait.ge [sflag:s17], $0x4000  }
0x1a9: {  	[sflag:s17] =	ssyncset.done $0x0  }
0x1aa: {  	[sflag:s17] =	ssyncadd.s32 $0xFFFFC000  }
0x1ab: {  	_ =	swait.ge [sflag:s18], $0x4000  }
0x1ac: {  	[sflag:s18] =	ssyncset.done $0x0  }
0x1ad: {  	[sflag:s18] =	ssyncadd.s32 $0xFFFFC000  }
0x1ae: {  	[tilespmem:s13], [sflag:$0x1] =	stream.indirect.gather [hbm4b:s1+s12], $0x80, s19, s12, $0xb8;
	[tilespmem:$0x1C900] =	vst v63  }
0x1af: {  	_ = 	snop  }
0x1b0: {  	[tilespmem:s14], [sflag:$0x2] =	stream.indirect.gather [hbm4b:s1+s12], $0x80, s20, s12, $0xb8;
	[tilespmem:$0x1C900] =	vst v63  }
0x1b1: {  	_ =	swait.ge [sflag:s15], $0x4000  }
0x1b2: {  	[sflag:s15] =	ssyncset.done $0x0  }
0x1b3: {  	[sflag:s15] =	ssyncadd.s32 $0xFFFFC000  }
0x1b4: {  	[spmem:s3] =	stream.indirect.scatter.add.f32 [tilespmem:s13], [sflag:$0x3], $0x80, s21, s12, $0xb8;
	[tilespmem:$0x1C900] =	vst v63  }
0x1b5: {  	_ =	swait.ge [sflag:s16], $0x4000  }
0x1b6: {  	[sflag:s16] =	ssyncset.done $0x0  }
0x1b7: {  	[sflag:s16] =	ssyncadd.s32 $0xFFFFC000  }
0x1b8: {  	[spmem:s3] =	stream.indirect.scatter.add.f32 [tilespmem:s14], [sflag:$0x4], $0x80, s22, s12, $0xb8;
	[tilespmem:$0x1C900] =	vst v63  }
0x1b9: {  	_ =	swait.ge [sflag:s17], $0x4000  }
0x1ba: {  	[sflag:s17] =	ssyncset.done $0x0  }
0x1bb: {  	[sflag:s17] =	ssyncadd.s32 $0xFFFFC000  }
0x1bc: {  	_ =	swait.ge [sflag:s18], $0x4000  }
0x1bd: {  	[sflag:s18] =	ssyncset.done $0x0  }
0x1be: {  	[sflag:s18] =	ssyncadd.s32 $0xFFFFC000  }
0x1bf: {  	[tilespmem:s13], [sflag:$0x1] =	stream.indirect.gather [hbm4b:s1+s12], $0x80, s23, s12, $0xb8;
	[tilespmem:$0x1C900] =	vst v63  }
0x1c0: {  	_ = 	snop  }
0x1c1: {  	[tilespmem:s14], [sflag:$0x2] =	stream.indirect.gather [hbm4b:s1+s12], $0x80, s24, s12, $0xb8;
	[tilespmem:$0x1C900] =	vst v63  }
0x1c2: {  	_ =	swait.ge [sflag:s15], $0x4000  }
0x1c3: {  	[sflag:s15] =	ssyncset.done $0x0  }
0x1c4: {  	[sflag:s15] =	ssyncadd.s32 $0xFFFFC000  }
0x1c5: {  	[spmem:s3] =	stream.indirect.scatter.add.f32 [tilespmem:s13], [sflag:$0x3], $0x80, s26, s12, $0xb8;
	[tilespmem:$0x1C900] =	vst v63  }
0x1c6: {  	_ =	swait.ge [sflag:s16], $0x4000  }
0x1c7: {  	[sflag:s16] =	ssyncset.done $0x0  }
0x1c8: {  	[sflag:s16] =	ssyncadd.s32 $0xFFFFC000  }
0x1c9: {  	[spmem:s3] =	stream.indirect.scatter.add.f32 [tilespmem:s14], [sflag:$0x4], $0x80, s28, s12, $0xb8;
	[tilespmem:$0x1C900] =	vst v63  }
0x1ca: {  	_ =	swait.ge [sflag:s17], $0x4000  }
0x1cb: {  	[sflag:s17] =	ssyncset.done $0x0  }
0x1cc: {  	[sflag:s17] =	ssyncadd.s32 $0xFFFFC000  }
0x1cd: {  	_ =	swait.ge [sflag:s18], $0x4000  }
0x1ce: {  	[sflag:s18] =	ssyncset.done $0x0  }
0x1cf: {  	[sflag:s18] =	ssyncadd.s32 $0xFFFFC000  }
0x1d0: {  	[tilespmem:s13], [sflag:$0x1] =	stream.indirect.gather [hbm4b:s1+s12], $0x80, s29, s12, $0xb8;
	[tilespmem:$0x1C900] =	vst v63  }
0x1d1: {  	_ = 	snop  }
0x1d2: {  	[tilespmem:s14], [sflag:$0x2] =	stream.indirect.gather [hbm4b:s1+s12], $0x80, s30, s12, $0xb8;
	[tilespmem:$0x1C900] =	vst v63  }
0x1d3: {  	_ =	swait.ge [sflag:s15], $0x4000  }
0x1d4: {  	[sflag:s15] =	ssyncset.done $0x0  }
0x1d5: {  	[sflag:s15] =	ssyncadd.s32 $0xFFFFC000  }
0x1d6: {  	[spmem:s3] =	stream.indirect.scatter.add.f32 [tilespmem:s13], [sflag:$0x3], $0x80, s31, s12, $0xb8;
	[tilespmem:$0x1C900] =	vst v63  }
0x1d7: {  	_ =	swait.ge [sflag:s16], $0x4000  }
0x1d8: {  	[sflag:s16] =	ssyncset.done $0x0  }
0x1d9: {  	[sflag:s16] =	ssyncadd.s32 $0xFFFFC000  }
0x1da: {  	[spmem:s3] =	stream.indirect.scatter.add.f32 [tilespmem:s14], [sflag:$0x4], $0x80, s2, s12, $0xb8;
	[tilespmem:$0x1C900] =	vst v63  }
0x1db: {  	_ =	swait.ge [sflag:s17], $0x4000  }
0x1dc: {  	[sflag:s17] =	ssyncset.done $0x0  }
0x1dd: {  	[sflag:s17] =	ssyncadd.s32 $0xFFFFC000  }
0x1de: {  	_ =	swait.ge [sflag:s18], $0x4000  }
0x1df: {  	[sflag:s18] =	ssyncset.done $0x0  }
0x1e0: {  	[sflag:s18] =	ssyncadd.s32 $0xFFFFC000  }
0x1e1: {  	[bflag:$0x0] =	sbarrier.arrive $0xFFFF  }
0x1e2: {  	s6 =	rddreg [dreg:$0x18]  }
0x1e3: {  	s7 =	rddreg [dreg:$0x19]  }
0x1e4: {  	s8 =	simm.s32 $0x20;
	s9 =	simm.s32 $0x10;
	s25 =	rddreg [dreg:$0x1c]  }
0x1e5: {  	[hbm:s7@s8], [sflag:s6] =	dma.strided [spmem:s25@s9], $0x2710, s15, $0x10   }
0x1e6: {  	_ =	swait.ge [sflag:s10], $0x2710  }
0x1e7: {  	s0 =	sadd.s32 $0x1, s0;
	s25 =	rddreg [dreg:$0x1a]  }
0x1e8: {  	p0 =	sne.s32 s0, s25  }
.Ltmp1:
0x1e9: {  	_ = 	snop;
	(pc) =	sbr.rel @p0 .LBB2_1-.Ltmp1, $3  }
0x1ea: {  	_ =	sdelay $0x1  }
0x1eb: {  	[sflag:s10] =	ssyncset.done $0x0  }
0x1ec: {  	[sflag:s10] =	ssyncadd.s32 $0xFFFFD8F0  }
0x1ed: {  	_ =	sfence.sel $0x180000  }
0x1ee: {  	[bflag:$0x0] =	sbarrier.arrive $0xFFFF  }
0x1ef: {  	_ =	strace $0x90000047  }
0x1f0: {  	s0 =	stileid.u32;
	[bflag:$0x2] =	sbarrier.arrive $0xFFFF  }
0x1f1: {  	p0 =	sne.s32 s0, $0x0;
	s0 =	rddreg [dreg:$0x3]  }
0x1f2: {  	s0 =	sadd.s32 @!p0 $0x100000, s0  }
0x1f3: {  	[sflag:s0] =	ssyncadd.tile.s32 @!p0 $0x1;
	_ =	shalt  }
.Lfunc_end2:
_tile_overlayer_lowered:
.L_overlay_start_2:
0x1f4: {  	(tag) =	ssettag $0x2  }
0x1f5: {  	s0 =	rddreg [dreg:$0x0];
	s2 =	stileid.u32  }
0x1f6: {  	s1 =	rddreg [dreg:$0x1];
	p0 =	sne.s32 s2, $0x0  }
0x1f7: {  	s3 =	rddreg [dreg:$0x2];
	[bflag:$0x3] =	sbarrier.arrive $0xFFFF;
	s2 =	simm.s32 @!p0 $0x1C05  }
0x1f8: {  	[timem:s3], [sflag:s2] =	dma.local @!p0 [hbm:s0], s1  }
0x1f9: {  	s0 =	simm.s32 @!p0 $0x5  }
0x1fa: {  	_ =	swait.ge @!p0 [sflag:s0], s1  }
0x1fb: {  	s1 =	ssub.s32 @!p0 $0x0, s1;
	[sflag:s0] =	ssyncset.done @!p0 $0x0  }
0x1fc: {  	[sflag:s0] =	ssyncadd.s32 @!p0 s1  }
0x1fd: {  	[bflag:$0x3] =	sbarrier.arrive $0xFFFF  }
0x1fe: {  	_ =	shalt  }

</sc_bundles>
